<compile_context>
chip_gen: v7x
topology: tpu7x:2x2x1
jax: 0.10.2.dev20260603
libtpu: 0.0.44.dev20260713+nightly
codegen_flags: <defaults>
</compile_context>

<pallas_src>
import functools

import jax
import jax.numpy as jnp
from jax import lax
from jax.experimental import pallas as pl
from jax.experimental.pallas import tpu as pltpu
from jax.experimental.pallas import tpu_sc as plsc

N = 10000
D = 128
DG = 16
NC = 2
NS = 16
NW = NC * NS
C = 64
NP = 10112
SP = NP // NS


def _sc_segment_sum(feat, edge_index):
    E = edge_index.shape[1]
    ew = E // NW
    assert ew * NW == E
    kf = ew // C
    tail = ew - kf * C
    mesh = plsc.VectorSubcoreMesh(core_axis_name="c", subcore_axis_name="s")

    @functools.partial(
        pl.kernel,
        out_type=(
            jax.ShapeDtypeStruct((NC, NP, D), jnp.float32),
            jax.ShapeDtypeStruct((NC, NP, DG), jnp.float32),
        ),
        mesh=mesh,
        compiler_params=pltpu.CompilerParams(use_tc_tiling_on_sc=False),
        scratch_types=[
            pltpu.VMEM((ew,), jnp.int32),
            pltpu.VMEM((ew,), jnp.int32),
            pltpu.VMEM((2, C, D), jnp.float32),
            pltpu.VMEM((C, DG), jnp.float32),
            pltpu.VMEM_SHARED((NP, D), jnp.float32),
            pltpu.VMEM_SHARED((NP, DG), jnp.float32),
            pltpu.SemaphoreType.DMA,
        ],
    )
    def seg_sum(feat_hbm, edge_hbm, out_hbm, deg_hbm,
                src_v, dst_v, rows_v, ones_v, acc, dacc, sem):
        cid = lax.axis_index("c")
        sid = lax.axis_index("s")
        wid = cid * NS + sid

        zeros16 = jnp.zeros((16,), jnp.float32)

        def zrow(i, _):
            for j in range(D // 16):
                rows_v[0, i, pl.ds(j * 16, 16)] = zeros16
            ones_v[i, pl.ds(0, 16)] = zeros16
            return 0

        lax.fori_loop(0, C, zrow, 0)
        base = sid * SP
        for r in range(SP // C):
            pltpu.sync_copy(rows_v.at[0], acc.at[pl.ds(base + r * C, C)])
            pltpu.sync_copy(ones_v, dacc.at[pl.ds(base + r * C, C)])
        rem = SP % C
        if rem:
            pltpu.sync_copy(rows_v.at[0, pl.ds(0, rem)],
                            acc.at[pl.ds(base + (SP // C) * C, rem)])
            pltpu.sync_copy(ones_v.at[pl.ds(0, rem)],
                            dacc.at[pl.ds(base + (SP // C) * C, rem)])
        ones16 = jnp.ones((16,), jnp.float32)

        def orow(i, _):
            ones_v[i, pl.ds(0, 16)] = ones16
            return 0

        lax.fori_loop(0, C, orow, 0)
        pltpu.sync_copy(edge_hbm.at[0, pl.ds(wid * ew, ew)], src_v)
        pltpu.sync_copy(edge_hbm.at[1, pl.ds(wid * ew, ew)], dst_v)
        plsc.subcore_barrier()

        pltpu.async_copy(feat_hbm.at[src_v.at[pl.ds(0, C)]],
                         rows_v.at[0], sem)

        def chunk(k, _):
            buf = lax.rem(k, 2)
            pltpu.make_async_copy(feat_hbm.at[src_v.at[pl.ds(k * C, C)]],
                                  rows_v.at[buf], sem).wait()

            @pl.when(k + 1 < kf)
            def _next_gather():
                pltpu.async_copy(
                    feat_hbm.at[src_v.at[pl.ds((k + 1) * C, C)]],
                    rows_v.at[1 - buf], sem)

            pltpu.sync_copy(rows_v.at[buf],
                            acc.at[dst_v.at[pl.ds(k * C, C)]], add=True)
            pltpu.sync_copy(ones_v, dacc.at[dst_v.at[pl.ds(k * C, C)]],
                            add=True)
            return 0

        lax.fori_loop(0, kf, chunk, 0)
        if tail:
            pltpu.async_copy(feat_hbm.at[src_v.at[pl.ds(kf * C, tail)]],
                             rows_v.at[0, pl.ds(0, tail)], sem).wait()
            pltpu.sync_copy(rows_v.at[0, pl.ds(0, tail)],
                            acc.at[dst_v.at[pl.ds(kf * C, tail)]], add=True)
            pltpu.sync_copy(ones_v.at[pl.ds(0, tail)],
                            dacc.at[dst_v.at[pl.ds(kf * C, tail)]], add=True)
        plsc.subcore_barrier()

        pltpu.sync_copy(acc.at[pl.ds(sid * SP, SP)],
                        out_hbm.at[cid, pl.ds(sid * SP, SP)])
        pltpu.sync_copy(dacc.at[pl.ds(sid * SP, SP)],
                        deg_hbm.at[cid, pl.ds(sid * SP, SP)])

    return seg_sum(feat, edge_index)


def _combine_body(p_ref, dg_ref, fd_ref, w_ref, b_ref, a_ref, o_ref):
    x = p_ref[...]
    dgs = dg_ref[...]
    agg = x[0] + x[1] + fd_ref[...]
    deg = dgs[0, :, :1] + dgs[1, :, :1] + 1.0
    y = jnp.dot(agg / deg, w_ref[...], preferred_element_type=jnp.float32)
    y = y + b_ref[...]
    a = a_ref[0, 0]
    o_ref[...] = jnp.where(y > 0, y, a * y)


def _tc_combine(parts, degs, feat_dst, W, b, prelu_a):
    R = 1000
    grid = (N // R,)
    return pl.pallas_call(
        _combine_body,
        grid=grid,
        in_specs=[
            pl.BlockSpec((NC, R, D), lambda i: (0, i, 0)),
            pl.BlockSpec((NC, R, DG), lambda i: (0, i, 0)),
            pl.BlockSpec((R, D), lambda i: (i, 0)),
            pl.BlockSpec((D, D), lambda i: (0, 0)),
            pl.BlockSpec((1, D), lambda i: (0, 0)),
            pl.BlockSpec((1, 1), lambda i: (0, 0)),
        ],
        out_specs=pl.BlockSpec((R, D), lambda i: (i, 0)),
        out_shape=jax.ShapeDtypeStruct((N, D), jnp.float32),
    )(parts, degs, feat_dst, W, b.reshape(1, D), prelu_a.reshape(1, 1))


def kernel(feat, edge_index, feat_dst, W, b, prelu_a):
    parts, degs = _sc_segment_sum(feat, edge_index)
    return _tc_combine(parts, degs, feat_dst, W, b,
                       jnp.asarray(prelu_a, jnp.float32))

# --- scband reference (transcript-rebuilt; emitter-appended) ---
"""Pipeline reference for scband-bi-graph-contrast-layer-86981677679364 (READ-ONLY COPY).

The authoritative reference and input builder live on the scoring server;
editing this copy changes nothing except your own understanding.
"""

import jax, jax.numpy as jnp
import numpy as np

N = 10000
E = 320000
D = 128

def setup_inputs(seed: int = 0) -> dict:
    key = jax.random.key(seed)
    k1, k2, k3, k4 = jax.random.split(key, 4)
    feat = jax.random.normal(k1, (N, D), dtype=jnp.float32)
    edge_index = jax.random.randint(k2, (2, E), 0, N, dtype=jnp.int32)
    # dst-type node features: torch.rand_like(feat) in the original module
    feat_dst = jax.random.uniform(k3, (N, D), dtype=jnp.float32)
    # GraphConv parameters (xavier-like init) and PReLU slope
    W = jax.random.normal(k4, (D, D), dtype=jnp.float32) * (1.0 / np.sqrt(D))
    b = jnp.zeros((D,), dtype=jnp.float32)
    prelu_a = jnp.float32(0.25)
    return {"feat": feat, "edge_index": edge_index, "feat_dst": feat_dst, "W": W, "b": b, "prelu_a": prelu_a}

def reference(feat, edge_index, feat_dst, W, b, prelu_a):
    n_src = feat.shape[0]
    n_homo = 2 * n_src
    # to_homogeneous: stack src-type then dst-type node features
    h = jnp.concatenate([feat, feat_dst], axis=0)
    src = edge_index[0]
    dst = edge_index[1] + n_src  # dst nodes offset in homogeneous graph
    # add_self_loop: one self edge per homogeneous node
    loop = jnp.arange(n_homo, dtype=src.dtype)
    src_all = jnp.concatenate([src, loop])
    dst_all = jnp.concatenate([dst, loop])
    # GraphConv with norm='right', in_feats <= out_feats: aggregate first, then matmul
    agg = jax.ops.segment_sum(h[src_all], dst_all, num_segments=n_homo)
    deg = jax.ops.segment_sum(jnp.ones_like(src_all, dtype=h.dtype), dst_all, num_segments=n_homo)
    deg = jnp.clip(deg, 1.0, None)
    agg = agg / deg[:, None]
    out = agg @ W + b
    # PReLU activation (single shared slope)
    out = jnp.where(out > 0, out, prelu_a * out)
    # filter_nodes on predict_type (= dst type): second block of homogeneous nodes
    return out[n_src:]

if __name__ == "__main__":
    import jax
    _d = setup_inputs()
    print(jax.jit(kernel)(*tuple(_d.values())))

</pallas_src>

<mosaic_0001>
#map = affine_map<(d0, d1) -> (0, 0)>
#map1 = affine_map<(d0, d1) -> (0, 0, 0)>
module attributes {stable_mosaic.version = 14 : i64} {
  func.func @seg_sum(%arg0: i32, %arg1: i32, %arg2: memref<10000x128xf32, #tpu.memory_space<hbm>>, %arg3: memref<2x320000xi32, #tpu.memory_space<hbm>>, %arg4: memref<2x10112x128xf32, #tpu.memory_space<hbm>>, %arg5: memref<2x10112x16xf32, #tpu.memory_space<hbm>>, %arg6: memref<10000xi32, #tpu.memory_space<vmem>>, %arg7: memref<10000xi32, #tpu.memory_space<vmem>>, %arg8: memref<2x64x128xf32, #tpu.memory_space<vmem>>, %arg9: memref<64x16xf32, #tpu.memory_space<vmem>>, %arg10: memref<10112x128xf32, #tpu.memory_space<vmem_shared>>, %arg11: memref<10112x16xf32, #tpu.memory_space<vmem_shared>>, %arg12: memref<!tpu.dma_semaphore, #tpu.memory_space<semaphore_mem>>) attributes {dimension_semantics = [#tpu.dimension_semantics<core_parallel>, #tpu.dimension_semantics<subcore_parallel>], iteration_bounds = array<i64: 2, 16>, scalar_prefetch = 0 : i64, scratch_operands = 7 : i64, tpu.core_type = #tpu.core_type<sc_vector_subcore>, window_params = [{transform_indices = #map}, {transform_indices = #map}, {transform_indices = #map1}, {transform_indices = #map1}]} {
    %mul3A = arith.constant 16 : i32
    %mul3A_0 = arith.muli %arg0, %mul3A : i32
    %add3A = arith.addi %mul3A_0, %arg1 : i32
    %broadcast_in_dim3A = arith.constant 0.000000e+00 : f32
    %broadcast_in_dim3A_1 = vector.broadcast %broadcast_in_dim3A : f32 to vector<16xf32>
    %scan3A = arith.constant 0 : i32
    %scan3A_2 = arith.constant 0 : i32
    %scan3A_3 = arith.constant 64 : i32
    %scan3A_4 = arith.addi %scan3A_2, %scan3A_3 : i32
    %scan3A_5 = arith.constant 1 : i32
    %scan3A_6 = scf.for %scan3A_119 = %scan3A_2 to %scan3A_4 step %scan3A_5 iter_args(%scan3A_120 = %scan3A) -> (i32)  : i32 {
      %swap3A = arith.constant 0 : i32
      %swap3A_121 = arith.index_cast %swap3A : i32 to index
      %swap3A_122 = arith.index_cast %scan3A_119 : i32 to index
      %swap3A_123 = arith.constant 0 : index
      %swap3A_124 = tpu.vector_load %arg8[%swap3A_121, %swap3A_122, %swap3A_123] {strides = array<i32>} : memref<2x64x128xf32, #tpu.memory_space<vmem>>, vector<1x1x16xf32>,
      %swap3A_125 = vector.shape_cast %swap3A_124 : vector<1x1x16xf32> to vector<16xf32>
      %swap3A_126 = vector.shape_cast %broadcast_in_dim3A_1 : vector<16xf32> to vector<1x1x16xf32>
      tpu.vector_store %arg8[%swap3A_121, %swap3A_122, %swap3A_123], %swap3A_126 {strides = array<i32>} : memref<2x64x128xf32, #tpu.memory_space<vmem>>, vector<1x1x16xf32>,
      %swap3A_127 = arith.constant 0 : i32
      %swap3A_128 = arith.index_cast %swap3A_127 : i32 to index
      %swap3A_129 = arith.index_cast %scan3A_119 : i32 to index
      %swap3A_130 = arith.constant 16 : index
      %swap3A_131 = tpu.vector_load %arg8[%swap3A_128, %swap3A_129, %swap3A_130] {strides = array<i32>} : memref<2x64x128xf32, #tpu.memory_space<vmem>>, vector<1x1x16xf32>,
      %swap3A_132 = vector.shape_cast %swap3A_131 : vector<1x1x16xf32> to vector<16xf32>
      %swap3A_133 = vector.shape_cast %broadcast_in_dim3A_1 : vector<16xf32> to vector<1x1x16xf32>
      tpu.vector_store %arg8[%swap3A_128, %swap3A_129, %swap3A_130], %swap3A_133 {strides = array<i32>} : memref<2x64x128xf32, #tpu.memory_space<vmem>>, vector<1x1x16xf32>,
      %swap3A_134 = arith.constant 0 : i32
      %swap3A_135 = arith.index_cast %swap3A_134 : i32 to index
      %swap3A_136 = arith.index_cast %scan3A_119 : i32 to index
      %swap3A_137 = arith.constant 32 : index
      %swap3A_138 = tpu.vector_load %arg8[%swap3A_135, %swap3A_136, %swap3A_137] {strides = array<i32>} : memref<2x64x128xf32, #tpu.memory_space<vmem>>, vector<1x1x16xf32>,
      %swap3A_139 = vector.shape_cast %swap3A_138 : vector<1x1x16xf32> to vector<16xf32>
      %swap3A_140 = vector.shape_cast %broadcast_in_dim3A_1 : vector<16xf32> to vector<1x1x16xf32>
      tpu.vector_store %arg8[%swap3A_135, %swap3A_136, %swap3A_137], %swap3A_140 {strides = array<i32>} : memref<2x64x128xf32, #tpu.memory_space<vmem>>, vector<1x1x16xf32>,
      %swap3A_141 = arith.constant 0 : i32
      %swap3A_142 = arith.index_cast %swap3A_141 : i32 to index
      %swap3A_143 = arith.index_cast %scan3A_119 : i32 to index
      %swap3A_144 = arith.constant 48 : index
      %swap3A_145 = tpu.vector_load %arg8[%swap3A_142, %swap3A_143, %swap3A_144] {strides = array<i32>} : memref<2x64x128xf32, #tpu.memory_space<vmem>>, vector<1x1x16xf32>,
      %swap3A_146 = vector.shape_cast %swap3A_145 : vector<1x1x16xf32> to vector<16xf32>
      %swap3A_147 = vector.shape_cast %broadcast_in_dim3A_1 : vector<16xf32> to vector<1x1x16xf32>
      tpu.vector_store %arg8[%swap3A_142, %swap3A_143, %swap3A_144], %swap3A_147 {strides = array<i32>} : memref<2x64x128xf32, #tpu.memory_space<vmem>>, vector<1x1x16xf32>,
      %swap3A_148 = arith.constant 0 : i32
      %swap3A_149 = arith.index_cast %swap3A_148 : i32 to index
      %swap3A_150 = arith.index_cast %scan3A_119 : i32 to index
      %swap3A_151 = arith.constant 64 : index
      %swap3A_152 = tpu.vector_load %arg8[%swap3A_149, %swap3A_150, %swap3A_151] {strides = array<i32>} : memref<2x64x128xf32, #tpu.memory_space<vmem>>, vector<1x1x16xf32>,
      %swap3A_153 = vector.shape_cast %swap3A_152 : vector<1x1x16xf32> to vector<16xf32>
      %swap3A_154 = vector.shape_cast %broadcast_in_dim3A_1 : vector<16xf32> to vector<1x1x16xf32>
      tpu.vector_store %arg8[%swap3A_149, %swap3A_150, %swap3A_151], %swap3A_154 {strides = array<i32>} : memref<2x64x128xf32, #tpu.memory_space<vmem>>, vector<1x1x16xf32>,
      %swap3A_155 = arith.constant 0 : i32
      %swap3A_156 = arith.index_cast %swap3A_155 : i32 to index
      %swap3A_157 = arith.index_cast %scan3A_119 : i32 to index
      %swap3A_158 = arith.constant 80 : index
      %swap3A_159 = tpu.vector_load %arg8[%swap3A_156, %swap3A_157, %swap3A_158] {strides = array<i32>} : memref<2x64x128xf32, #tpu.memory_space<vmem>>, vector<1x1x16xf32>,
      %swap3A_160 = vector.shape_cast %swap3A_159 : vector<1x1x16xf32> to vector<16xf32>
      %swap3A_161 = vector.shape_cast %broadcast_in_dim3A_1 : vector<16xf32> to vector<1x1x16xf32>
      tpu.vector_store %arg8[%swap3A_156, %swap3A_157, %swap3A_158], %swap3A_161 {strides = array<i32>} : memref<2x64x128xf32, #tpu.memory_space<vmem>>, vector<1x1x16xf32>,
      %swap3A_162 = arith.constant 0 : i32
      %swap3A_163 = arith.index_cast %swap3A_162 : i32 to index
      %swap3A_164 = arith.index_cast %scan3A_119 : i32 to index
      %swap3A_165 = arith.constant 96 : index
      %swap3A_166 = tpu.vector_load %arg8[%swap3A_163, %swap3A_164, %swap3A_165] {strides = array<i32>} : memref<2x64x128xf32, #tpu.memory_space<vmem>>, vector<1x1x16xf32>,
      %swap3A_167 = vector.shape_cast %swap3A_166 : vector<1x1x16xf32> to vector<16xf32>
      %swap3A_168 = vector.shape_cast %broadcast_in_dim3A_1 : vector<16xf32> to vector<1x1x16xf32>
      tpu.vector_store %arg8[%swap3A_163, %swap3A_164, %swap3A_165], %swap3A_168 {strides = array<i32>} : memref<2x64x128xf32, #tpu.memory_space<vmem>>, vector<1x1x16xf32>,
      %swap3A_169 = arith.constant 0 : i32
      %swap3A_170 = arith.index_cast %swap3A_169 : i32 to index
      %swap3A_171 = arith.index_cast %scan3A_119 : i32 to index
      %swap3A_172 = arith.constant 112 : index
      %swap3A_173 = tpu.vector_load %arg8[%swap3A_170, %swap3A_171, %swap3A_172] {strides = array<i32>} : memref<2x64x128xf32, #tpu.memory_space<vmem>>, vector<1x1x16xf32>,
      %swap3A_174 = vector.shape_cast %swap3A_173 : vector<1x1x16xf32> to vector<16xf32>
      %swap3A_175 = vector.shape_cast %broadcast_in_dim3A_1 : vector<16xf32> to vector<1x1x16xf32>
      tpu.vector_store %arg8[%swap3A_170, %swap3A_171, %swap3A_172], %swap3A_175 {strides = array<i32>} : memref<2x64x128xf32, #tpu.memory_space<vmem>>, vector<1x1x16xf32>,
      %swap3A_176 = arith.index_cast %scan3A_119 : i32 to index
      %swap3A_177 = arith.constant 0 : index
      %swap3A_178 = tpu.vector_load %arg9[%swap3A_176, %swap3A_177] {strides = array<i32>} : memref<64x16xf32, #tpu.memory_space<vmem>>, vector<1x16xf32>,
      %swap3A_179 = vector.shape_cast %swap3A_178 : vector<1x16xf32> to vector<16xf32>
      %swap3A_180 = vector.shape_cast %broadcast_in_dim3A_1 : vector<16xf32> to vector<1x16xf32>
      tpu.vector_store %arg9[%swap3A_176, %swap3A_177], %swap3A_180 {strides = array<i32>} : memref<64x16xf32, #tpu.memory_space<vmem>>, vector<1x16xf32>,
      %scan3A_181 = arith.constant 0 : i32
      scf.yield %scan3A_181 : i32
    }
    %scan3A_7 = arith.constant 64 : i32
    %mul3A_8 = arith.constant 632 : i32
    %mul3A_9 = arith.muli %arg1, %mul3A_8 : i32
    %add3A_10 = arith.constant 0 : i32
    %add3A_11 = arith.addi %mul3A_9, %add3A_10 : i32
    %run_scoped3A = arith.constant 0 : i32
    "tpu.region"() ({
      %run_scoped3A_119 = tpu.sem_alloc : memref<!tpu.dma_semaphore, #tpu.memory_space<semaphore_mem>>
      %dma_start3A_120 = arith.constant 0 : i32
      %dma_start3A_121 = arith.constant 0 : i32
      %dma_start3A_122 = tpu.memref_slice %arg8[%run_scoped3A, %dma_start3A_120, %dma_start3A_121] : memref<2x64x128xf32, #tpu.memory_space<vmem>> -> memref<1x64x128xf32, #tpu.memory_space<vmem>>
      %dma_start3A_123 = tpu.memref_squeeze %dma_start3A_122 : memref<1x64x128xf32, #tpu.memory_space<vmem>> -> memref<64x128xf32, #tpu.memory_space<vmem>>
      %dma_start3A_124 = arith.constant 0 : i32
      %dma_start3A_125 = tpu.memref_slice %arg10[%add3A_11, %dma_start3A_124] : memref<10112x128xf32, #tpu.memory_space<vmem_shared>> -> memref<64x128xf32, #tpu.memory_space<vmem_shared>>
      %dma_start3A_126 = arith.constant 0 : i32
      %dma_start3A_127 = tpu.memref_slice %arg10[%add3A_11, %dma_start3A_126] : memref<10112x128xf32, #tpu.memory_space<vmem_shared>> -> memref<64x128xf32, #tpu.memory_space<vmem_shared>>
      %dma_start3A_128 = arith.constant 0 : i32
      %dma_start3A_129 = arith.constant 0 : i32
      %dma_start3A_130 = tpu.memref_slice %arg8[%run_scoped3A, %dma_start3A_128, %dma_start3A_129] : memref<2x64x128xf32, #tpu.memory_space<vmem>> -> memref<1x64x128xf32, #tpu.memory_space<vmem>>
      %dma_start3A_131 = tpu.memref_squeeze %dma_start3A_130 : memref<1x64x128xf32, #tpu.memory_space<vmem>> -> memref<64x128xf32, #tpu.memory_space<vmem>>
      tpu.enqueue_dma source(%dma_start3A_131 : memref<64x128xf32, #tpu.memory_space<vmem>>) target(%dma_start3A_127 : memref<64x128xf32, #tpu.memory_space<vmem_shared>>) target_semaphore(%run_scoped3A_119 : memref<!tpu.dma_semaphore, #tpu.memory_space<semaphore_mem>>)
      %dma_wait3A_132 = arith.constant 0 : i32
      %dma_wait3A_133 = arith.constant 0 : i32
      %dma_wait3A_134 = tpu.memref_slice %arg8[%run_scoped3A, %dma_wait3A_132, %dma_wait3A_133] : memref<2x64x128xf32, #tpu.memory_space<vmem>> -> memref<1x64x128xf32, #tpu.memory_space<vmem>>
      %dma_wait3A_135 = tpu.memref_squeeze %dma_wait3A_134 : memref<1x64x128xf32, #tpu.memory_space<vmem>> -> memref<64x128xf32, #tpu.memory_space<vmem>>
      %dma_wait3A_136 = arith.constant 0 : i32
      %dma_wait3A_137 = tpu.memref_slice %arg10[%add3A_11, %dma_wait3A_136] : memref<10112x128xf32, #tpu.memory_space<vmem_shared>> -> memref<64x128xf32, #tpu.memory_space<vmem_shared>>
      %dma_wait3A_138 = arith.constant 0 : i32
      %dma_wait3A_139 = tpu.memref_slice %arg10[%add3A_11, %dma_wait3A_138] : memref<10112x128xf32, #tpu.memory_space<vmem_shared>> -> memref<64x128xf32, #tpu.memory_space<vmem_shared>>
      %dma_wait3A_140 = arith.constant 0 : i32
      %dma_wait3A_141 = arith.constant 0 : i32
      %dma_wait3A_142 = tpu.memref_slice %arg8[%run_scoped3A, %dma_wait3A_140, %dma_wait3A_141] : memref<2x64x128xf32, #tpu.memory_space<vmem>> -> memref<1x64x128xf32, #tpu.memory_space<vmem>>
      %dma_wait3A_143 = tpu.memref_squeeze %dma_wait3A_142 : memref<1x64x128xf32, #tpu.memory_space<vmem>> -> memref<64x128xf32, #tpu.memory_space<vmem>>
      tpu.wait_dma2 semaphore(%run_scoped3A_119 : memref<!tpu.dma_semaphore, #tpu.memory_space<semaphore_mem>>) src(%dma_wait3A_143 : memref<64x128xf32, #tpu.memory_space<vmem>>) dst(%dma_wait3A_139 : memref<64x128xf32, #tpu.memory_space<vmem_shared>>)
      tpu.yield
    }) : () -> ()
    %add3A_12 = arith.constant 0 : i32
    %add3A_13 = arith.addi %mul3A_9, %add3A_12 : i32
    "tpu.region"() ({
      %run_scoped3A_119 = tpu.sem_alloc : memref<!tpu.dma_semaphore, #tpu.memory_space<semaphore_mem>>
      %dma_start3A_120 = arith.constant 0 : i32
      %dma_start3A_121 = tpu.memref_slice %arg11[%add3A_13, %dma_start3A_120] : memref<10112x16xf32, #tpu.memory_space<vmem_shared>> -> memref<64x16xf32, #tpu.memory_space<vmem_shared>>
      %dma_start3A_122 = arith.constant 0 : i32
      %dma_start3A_123 = tpu.memref_slice %arg11[%add3A_13, %dma_start3A_122] : memref<10112x16xf32, #tpu.memory_space<vmem_shared>> -> memref<64x16xf32, #tpu.memory_space<vmem_shared>>
      tpu.enqueue_dma source(%arg9 : memref<64x16xf32, #tpu.memory_space<vmem>>) target(%dma_start3A_123 : memref<64x16xf32, #tpu.memory_space<vmem_shared>>) target_semaphore(%run_scoped3A_119 : memref<!tpu.dma_semaphore, #tpu.memory_space<semaphore_mem>>)
      %dma_wait3A_124 = arith.constant 0 : i32
      %dma_wait3A_125 = tpu.memref_slice %arg11[%add3A_13, %dma_wait3A_124] : memref<10112x16xf32, #tpu.memory_space<vmem_shared>> -> memref<64x16xf32, #tpu.memory_space<vmem_shared>>
      %dma_wait3A_126 = arith.constant 0 : i32
      %dma_wait3A_127 = tpu.memref_slice %arg11[%add3A_13, %dma_wait3A_126] : memref<10112x16xf32, #tpu.memory_space<vmem_shared>> -> memref<64x16xf32, #tpu.memory_space<vmem_shared>>
      tpu.wait_dma2 semaphore(%run_scoped3A_119 : memref<!tpu.dma_semaphore, #tpu.memory_space<semaphore_mem>>) src(%arg9 : memref<64x16xf32, #tpu.memory_space<vmem>>) dst(%dma_wait3A_127 : memref<64x16xf32, #tpu.memory_space<vmem_shared>>)
      tpu.yield
    }) : () -> ()
    %add3A_14 = arith.constant 64 : i32
    %add3A_15 = arith.addi %mul3A_9, %add3A_14 : i32
    %run_scoped3A_16 = arith.constant 0 : i32
    "tpu.region"() ({
      %run_scoped3A_119 = tpu.sem_alloc : memref<!tpu.dma_semaphore, #tpu.memory_space<semaphore_mem>>
      %dma_start3A_120 = arith.constant 0 : i32
      %dma_start3A_121 = arith.constant 0 : i32
      %dma_start3A_122 = tpu.memref_slice %arg8[%run_scoped3A_16, %dma_start3A_120, %dma_start3A_121] : memref<2x64x128xf32, #tpu.memory_space<vmem>> -> memref<1x64x128xf32, #tpu.memory_space<vmem>>
      %dma_start3A_123 = tpu.memref_squeeze %dma_start3A_122 : memref<1x64x128xf32, #tpu.memory_space<vmem>> -> memref<64x128xf32, #tpu.memory_space<vmem>>
      %dma_start3A_124 = arith.constant 0 : i32
      %dma_start3A_125 = tpu.memref_slice %arg10[%add3A_15, %dma_start3A_124] : memref<10112x128xf32, #tpu.memory_space<vmem_shared>> -> memref<64x128xf32, #tpu.memory_space<vmem_shared>>
      %dma_start3A_126 = arith.constant 0 : i32
      %dma_start3A_127 = tpu.memref_slice %arg10[%add3A_15, %dma_start3A_126] : memref<10112x128xf32, #tpu.memory_space<vmem_shared>> -> memref<64x128xf32, #tpu.memory_space<vmem_shared>>
      %dma_start3A_128 = arith.constant 0 : i32
      %dma_start3A_129 = arith.constant 0 : i32
      %dma_start3A_130 = tpu.memref_slice %arg8[%run_scoped3A_16, %dma_start3A_128, %dma_start3A_129] : memref<2x64x128xf32, #tpu.memory_space<vmem>> -> memref<1x64x128xf32, #tpu.memory_space<vmem>>
      %dma_start3A_131 = tpu.memref_squeeze %dma_start3A_130 : memref<1x64x128xf32, #tpu.memory_space<vmem>> -> memref<64x128xf32, #tpu.memory_space<vmem>>
      tpu.enqueue_dma source(%dma_start3A_131 : memref<64x128xf32, #tpu.memory_space<vmem>>) target(%dma_start3A_127 : memref<64x128xf32, #tpu.memory_space<vmem_shared>>) target_semaphore(%run_scoped3A_119 : memref<!tpu.dma_semaphore, #tpu.memory_space<semaphore_mem>>)
      %dma_wait3A_132 = arith.constant 0 : i32
      %dma_wait3A_133 = arith.constant 0 : i32
      %dma_wait3A_134 = tpu.memref_slice %arg8[%run_scoped3A_16, %dma_wait3A_132, %dma_wait3A_133] : memref<2x64x128xf32, #tpu.memory_space<vmem>> -> memref<1x64x128xf32, #tpu.memory_space<vmem>>
      %dma_wait3A_135 = tpu.memref_squeeze %dma_wait3A_134 : memref<1x64x128xf32, #tpu.memory_space<vmem>> -> memref<64x128xf32, #tpu.memory_space<vmem>>
      %dma_wait3A_136 = arith.constant 0 : i32
      %dma_wait3A_137 = tpu.memref_slice %arg10[%add3A_15, %dma_wait3A_136] : memref<10112x128xf32, #tpu.memory_space<vmem_shared>> -> memref<64x128xf32, #tpu.memory_space<vmem_shared>>
      %dma_wait3A_138 = arith.constant 0 : i32
      %dma_wait3A_139 = tpu.memref_slice %arg10[%add3A_15, %dma_wait3A_138] : memref<10112x128xf32, #tpu.memory_space<vmem_shared>> -> memref<64x128xf32, #tpu.memory_space<vmem_shared>>
      %dma_wait3A_140 = arith.constant 0 : i32
      %dma_wait3A_141 = arith.constant 0 : i32
      %dma_wait3A_142 = tpu.memref_slice %arg8[%run_scoped3A_16, %dma_wait3A_140, %dma_wait3A_141] : memref<2x64x128xf32, #tpu.memory_space<vmem>> -> memref<1x64x128xf32, #tpu.memory_space<vmem>>
      %dma_wait3A_143 = tpu.memref_squeeze %dma_wait3A_142 : memref<1x64x128xf32, #tpu.memory_space<vmem>> -> memref<64x128xf32, #tpu.memory_space<vmem>>
      tpu.wait_dma2 semaphore(%run_scoped3A_119 : memref<!tpu.dma_semaphore, #tpu.memory_space<semaphore_mem>>) src(%dma_wait3A_143 : memref<64x128xf32, #tpu.memory_space<vmem>>) dst(%dma_wait3A_139 : memref<64x128xf32, #tpu.memory_space<vmem_shared>>)
      tpu.yield
    }) : () -> ()
    %add3A_17 = arith.constant 64 : i32
    %add3A_18 = arith.addi %mul3A_9, %add3A_17 : i32
    "tpu.region"() ({
      %run_scoped3A_119 = tpu.sem_alloc : memref<!tpu.dma_semaphore, #tpu.memory_space<semaphore_mem>>
      %dma_start3A_120 = arith.constant 0 : i32
      %dma_start3A_121 = tpu.memref_slice %arg11[%add3A_18, %dma_start3A_120] : memref<10112x16xf32, #tpu.memory_space<vmem_shared>> -> memref<64x16xf32, #tpu.memory_space<vmem_shared>>
      %dma_start3A_122 = arith.constant 0 : i32
      %dma_start3A_123 = tpu.memref_slice %arg11[%add3A_18, %dma_start3A_122] : memref<10112x16xf32, #tpu.memory_space<vmem_shared>> -> memref<64x16xf32, #tpu.memory_space<vmem_shared>>
      tpu.enqueue_dma source(%arg9 : memref<64x16xf32, #tpu.memory_space<vmem>>) target(%dma_start3A_123 : memref<64x16xf32, #tpu.memory_space<vmem_shared>>) target_semaphore(%run_scoped3A_119 : memref<!tpu.dma_semaphore, #tpu.memory_space<semaphore_mem>>)
      %dma_wait3A_124 = arith.constant 0 : i32
      %dma_wait3A_125 = tpu.memref_slice %arg11[%add3A_18, %dma_wait3A_124] : memref<10112x16xf32, #tpu.memory_space<vmem_shared>> -> memref<64x16xf32, #tpu.memory_space<vmem_shared>>
      %dma_wait3A_126 = arith.constant 0 : i32
      %dma_wait3A_127 = tpu.memref_slice %arg11[%add3A_18, %dma_wait3A_126] : memref<10112x16xf32, #tpu.memory_space<vmem_shared>> -> memref<64x16xf32, #tpu.memory_space<vmem_shared>>
      tpu.wait_dma2 semaphore(%run_scoped3A_119 : memref<!tpu.dma_semaphore, #tpu.memory_space<semaphore_mem>>) src(%arg9 : memref<64x16xf32, #tpu.memory_space<vmem>>) dst(%dma_wait3A_127 : memref<64x16xf32, #tpu.memory_space<vmem_shared>>)
      tpu.yield
    }) : () -> ()
    %add3A_19 = arith.constant 128 : i32
    %add3A_20 = arith.addi %mul3A_9, %add3A_19 : i32
    %run_scoped3A_21 = arith.constant 0 : i32
    "tpu.region"() ({
      %run_scoped3A_119 = tpu.sem_alloc : memref<!tpu.dma_semaphore, #tpu.memory_space<semaphore_mem>>
      %dma_start3A_120 = arith.constant 0 : i32
      %dma_start3A_121 = arith.constant 0 : i32
      %dma_start3A_122 = tpu.memref_slice %arg8[%run_scoped3A_21, %dma_start3A_120, %dma_start3A_121] : memref<2x64x128xf32, #tpu.memory_space<vmem>> -> memref<1x64x128xf32, #tpu.memory_space<vmem>>
      %dma_start3A_123 = tpu.memref_squeeze %dma_start3A_122 : memref<1x64x128xf32, #tpu.memory_space<vmem>> -> memref<64x128xf32, #tpu.memory_space<vmem>>
      %dma_start3A_124 = arith.constant 0 : i32
      %dma_start3A_125 = tpu.memref_slice %arg10[%add3A_20, %dma_start3A_124] : memref<10112x128xf32, #tpu.memory_space<vmem_shared>> -> memref<64x128xf32, #tpu.memory_space<vmem_shared>>
      %dma_start3A_126 = arith.constant 0 : i32
      %dma_start3A_127 = tpu.memref_slice %arg10[%add3A_20, %dma_start3A_126] : memref<10112x128xf32, #tpu.memory_space<vmem_shared>> -> memref<64x128xf32, #tpu.memory_space<vmem_shared>>
      %dma_start3A_128 = arith.constant 0 : i32
      %dma_start3A_129 = arith.constant 0 : i32
      %dma_start3A_130 = tpu.memref_slice %arg8[%run_scoped3A_21, %dma_start3A_128, %dma_start3A_129] : memref<2x64x128xf32, #tpu.memory_space<vmem>> -> memref<1x64x128xf32, #tpu.memory_space<vmem>>
      %dma_start3A_131 = tpu.memref_squeeze %dma_start3A_130 : memref<1x64x128xf32, #tpu.memory_space<vmem>> -> memref<64x128xf32, #tpu.memory_space<vmem>>
      tpu.enqueue_dma source(%dma_start3A_131 : memref<64x128xf32, #tpu.memory_space<vmem>>) target(%dma_start3A_127 : memref<64x128xf32, #tpu.memory_space<vmem_shared>>) target_semaphore(%run_scoped3A_119 : memref<!tpu.dma_semaphore, #tpu.memory_space<semaphore_mem>>)
      %dma_wait3A_132 = arith.constant 0 : i32
      %dma_wait3A_133 = arith.constant 0 : i32
      %dma_wait3A_134 = tpu.memref_slice %arg8[%run_scoped3A_21, %dma_wait3A_132, %dma_wait3A_133] : memref<2x64x128xf32, #tpu.memory_space<vmem>> -> memref<1x64x128xf32, #tpu.memory_space<vmem>>
      %dma_wait3A_135 = tpu.memref_squeeze %dma_wait3A_134 : memref<1x64x128xf32, #tpu.memory_space<vmem>> -> memref<64x128xf32, #tpu.memory_space<vmem>>
      %dma_wait3A_136 = arith.constant 0 : i32
      %dma_wait3A_137 = tpu.memref_slice %arg10[%add3A_20, %dma_wait3A_136] : memref<10112x128xf32, #tpu.memory_space<vmem_shared>> -> memref<64x128xf32, #tpu.memory_space<vmem_shared>>
      %dma_wait3A_138 = arith.constant 0 : i32
      %dma_wait3A_139 = tpu.memref_slice %arg10[%add3A_20, %dma_wait3A_138] : memref<10112x128xf32, #tpu.memory_space<vmem_shared>> -> memref<64x128xf32, #tpu.memory_space<vmem_shared>>
      %dma_wait3A_140 = arith.constant 0 : i32
      %dma_wait3A_141 = arith.constant 0 : i32
      %dma_wait3A_142 = tpu.memref_slice %arg8[%run_scoped3A_21, %dma_wait3A_140, %dma_wait3A_141] : memref<2x64x128xf32, #tpu.memory_space<vmem>> -> memref<1x64x128xf32, #tpu.memory_space<vmem>>
      %dma_wait3A_143 = tpu.memref_squeeze %dma_wait3A_142 : memref<1x64x128xf32, #tpu.memory_space<vmem>> -> memref<64x128xf32, #tpu.memory_space<vmem>>
      tpu.wait_dma2 semaphore(%run_scoped3A_119 : memref<!tpu.dma_semaphore, #tpu.memory_space<semaphore_mem>>) src(%dma_wait3A_143 : memref<64x128xf32, #tpu.memory_space<vmem>>) dst(%dma_wait3A_139 : memref<64x128xf32, #tpu.memory_space<vmem_shared>>)
      tpu.yield
    }) : () -> ()
    %add3A_22 = arith.constant 128 : i32
    %add3A_23 = arith.addi %mul3A_9, %add3A_22 : i32
    "tpu.region"() ({
      %run_scoped3A_119 = tpu.sem_alloc : memref<!tpu.dma_semaphore, #tpu.memory_space<semaphore_mem>>
      %dma_start3A_120 = arith.constant 0 : i32
      %dma_start3A_121 = tpu.memref_slice %arg11[%add3A_23, %dma_start3A_120] : memref<10112x16xf32, #tpu.memory_space<vmem_shared>> -> memref<64x16xf32, #tpu.memory_space<vmem_shared>>
      %dma_start3A_122 = arith.constant 0 : i32
      %dma_start3A_123 = tpu.memref_slice %arg11[%add3A_23, %dma_start3A_122] : memref<10112x16xf32, #tpu.memory_space<vmem_shared>> -> memref<64x16xf32, #tpu.memory_space<vmem_shared>>
      tpu.enqueue_dma source(%arg9 : memref<64x16xf32, #tpu.memory_space<vmem>>) target(%dma_start3A_123 : memref<64x16xf32, #tpu.memory_space<vmem_shared>>) target_semaphore(%run_scoped3A_119 : memref<!tpu.dma_semaphore, #tpu.memory_space<semaphore_mem>>)
      %dma_wait3A_124 = arith.constant 0 : i32
      %dma_wait3A_125 = tpu.memref_slice %arg11[%add3A_23, %dma_wait3A_124] : memref<10112x16xf32, #tpu.memory_space<vmem_shared>> -> memref<64x16xf32, #tpu.memory_space<vmem_shared>>
      %dma_wait3A_126 = arith.constant 0 : i32
      %dma_wait3A_127 = tpu.memref_slice %arg11[%add3A_23, %dma_wait3A_126] : memref<10112x16xf32, #tpu.memory_space<vmem_shared>> -> memref<64x16xf32, #tpu.memory_space<vmem_shared>>
      tpu.wait_dma2 semaphore(%run_scoped3A_119 : memref<!tpu.dma_semaphore, #tpu.memory_space<semaphore_mem>>) src(%arg9 : memref<64x16xf32, #tpu.memory_space<vmem>>) dst(%dma_wait3A_127 : memref<64x16xf32, #tpu.memory_space<vmem_shared>>)
      tpu.yield
    }) : () -> ()
    %add3A_24 = arith.constant 192 : i32
    %add3A_25 = arith.addi %mul3A_9, %add3A_24 : i32
    %run_scoped3A_26 = arith.constant 0 : i32
    "tpu.region"() ({
      %run_scoped3A_119 = tpu.sem_alloc : memref<!tpu.dma_semaphore, #tpu.memory_space<semaphore_mem>>
      %dma_start3A_120 = arith.constant 0 : i32
      %dma_start3A_121 = arith.constant 0 : i32
      %dma_start3A_122 = tpu.memref_slice %arg8[%run_scoped3A_26, %dma_start3A_120, %dma_start3A_121] : memref<2x64x128xf32, #tpu.memory_space<vmem>> -> memref<1x64x128xf32, #tpu.memory_space<vmem>>
      %dma_start3A_123 = tpu.memref_squeeze %dma_start3A_122 : memref<1x64x128xf32, #tpu.memory_space<vmem>> -> memref<64x128xf32, #tpu.memory_space<vmem>>
      %dma_start3A_124 = arith.constant 0 : i32
      %dma_start3A_125 = tpu.memref_slice %arg10[%add3A_25, %dma_start3A_124] : memref<10112x128xf32, #tpu.memory_space<vmem_shared>> -> memref<64x128xf32, #tpu.memory_space<vmem_shared>>
      %dma_start3A_126 = arith.constant 0 : i32
      %dma_start3A_127 = tpu.memref_slice %arg10[%add3A_25, %dma_start3A_126] : memref<10112x128xf32, #tpu.memory_space<vmem_shared>> -> memref<64x128xf32, #tpu.memory_space<vmem_shared>>
      %dma_start3A_128 = arith.constant 0 : i32
      %dma_start3A_129 = arith.constant 0 : i32
      %dma_start3A_130 = tpu.memref_slice %arg8[%run_scoped3A_26, %dma_start3A_128, %dma_start3A_129] : memref<2x64x128xf32, #tpu.memory_space<vmem>> -> memref<1x64x128xf32, #tpu.memory_space<vmem>>
      %dma_start3A_131 = tpu.memref_squeeze %dma_start3A_130 : memref<1x64x128xf32, #tpu.memory_space<vmem>> -> memref<64x128xf32, #tpu.memory_space<vmem>>
      tpu.enqueue_dma source(%dma_start3A_131 : memref<64x128xf32, #tpu.memory_space<vmem>>) target(%dma_start3A_127 : memref<64x128xf32, #tpu.memory_space<vmem_shared>>) target_semaphore(%run_scoped3A_119 : memref<!tpu.dma_semaphore, #tpu.memory_space<semaphore_mem>>)
      %dma_wait3A_132 = arith.constant 0 : i32
      %dma_wait3A_133 = arith.constant 0 : i32
      %dma_wait3A_134 = tpu.memref_slice %arg8[%run_scoped3A_26, %dma_wait3A_132, %dma_wait3A_133] : memref<2x64x128xf32, #tpu.memory_space<vmem>> -> memref<1x64x128xf32, #tpu.memory_space<vmem>>
      %dma_wait3A_135 = tpu.memref_squeeze %dma_wait3A_134 : memref<1x64x128xf32, #tpu.memory_space<vmem>> -> memref<64x128xf32, #tpu.memory_space<vmem>>
      %dma_wait3A_136 = arith.constant 0 : i32
      %dma_wait3A_137 = tpu.memref_slice %arg10[%add3A_25, %dma_wait3A_136] : memref<10112x128xf32, #tpu.memory_space<vmem_shared>> -> memref<64x128xf32, #tpu.memory_space<vmem_shared>>
      %dma_wait3A_138 = arith.constant 0 : i32
      %dma_wait3A_139 = tpu.memref_slice %arg10[%add3A_25, %dma_wait3A_138] : memref<10112x128xf32, #tpu.memory_space<vmem_shared>> -> memref<64x128xf32, #tpu.memory_space<vmem_shared>>
      %dma_wait3A_140 = arith.constant 0 : i32
      %dma_wait3A_141 = arith.constant 0 : i32
      %dma_wait3A_142 = tpu.memref_slice %arg8[%run_scoped3A_26, %dma_wait3A_140, %dma_wait3A_141] : memref<2x64x128xf32, #tpu.memory_space<vmem>> -> memref<1x64x128xf32, #tpu.memory_space<vmem>>
      %dma_wait3A_143 = tpu.memref_squeeze %dma_wait3A_142 : memref<1x64x128xf32, #tpu.memory_space<vmem>> -> memref<64x128xf32, #tpu.memory_space<vmem>>
      tpu.wait_dma2 semaphore(%run_scoped3A_119 : memref<!tpu.dma_semaphore, #tpu.memory_space<semaphore_mem>>) src(%dma_wait3A_143 : memref<64x128xf32, #tpu.memory_space<vmem>>) dst(%dma_wait3A_139 : memref<64x128xf32, #tpu.memory_space<vmem_shared>>)
      tpu.yield
    }) : () -> ()
    %add3A_27 = arith.constant 192 : i32
    %add3A_28 = arith.addi %mul3A_9, %add3A_27 : i32
    "tpu.region"() ({
      %run_scoped3A_119 = tpu.sem_alloc : memref<!tpu.dma_semaphore, #tpu.memory_space<semaphore_mem>>
      %dma_start3A_120 = arith.constant 0 : i32
      %dma_start3A_121 = tpu.memref_slice %arg11[%add3A_28, %dma_start3A_120] : memref<10112x16xf32, #tpu.memory_space<vmem_shared>> -> memref<64x16xf32, #tpu.memory_space<vmem_shared>>
      %dma_start3A_122 = arith.constant 0 : i32
      %dma_start3A_123 = tpu.memref_slice %arg11[%add3A_28, %dma_start3A_122] : memref<10112x16xf32, #tpu.memory_space<vmem_shared>> -> memref<64x16xf32, #tpu.memory_space<vmem_shared>>
      tpu.enqueue_dma source(%arg9 : memref<64x16xf32, #tpu.memory_space<vmem>>) target(%dma_start3A_123 : memref<64x16xf32, #tpu.memory_space<vmem_shared>>) target_semaphore(%run_scoped3A_119 : memref<!tpu.dma_semaphore, #tpu.memory_space<semaphore_mem>>)
      %dma_wait3A_124 = arith.constant 0 : i32
      %dma_wait3A_125 = tpu.memref_slice %arg11[%add3A_28, %dma_wait3A_124] : memref<10112x16xf32, #tpu.memory_space<vmem_shared>> -> memref<64x16xf32, #tpu.memory_space<vmem_shared>>
      %dma_wait3A_126 = arith.constant 0 : i32
      %dma_wait3A_127 = tpu.memref_slice %arg11[%add3A_28, %dma_wait3A_126] : memref<10112x16xf32, #tpu.memory_space<vmem_shared>> -> memref<64x16xf32, #tpu.memory_space<vmem_shared>>
      tpu.wait_dma2 semaphore(%run_scoped3A_119 : memref<!tpu.dma_semaphore, #tpu.memory_space<semaphore_mem>>) src(%arg9 : memref<64x16xf32, #tpu.memory_space<vmem>>) dst(%dma_wait3A_127 : memref<64x16xf32, #tpu.memory_space<vmem_shared>>)
      tpu.yield
    }) : () -> ()
    %add3A_29 = arith.constant 256 : i32
    %add3A_30 = arith.addi %mul3A_9, %add3A_29 : i32
    %run_scoped3A_31 = arith.constant 0 : i32
    "tpu.region"() ({
      %run_scoped3A_119 = tpu.sem_alloc : memref<!tpu.dma_semaphore, #tpu.memory_space<semaphore_mem>>
      %dma_start3A_120 = arith.constant 0 : i32
      %dma_start3A_121 = arith.constant 0 : i32
      %dma_start3A_122 = tpu.memref_slice %arg8[%run_scoped3A_31, %dma_start3A_120, %dma_start3A_121] : memref<2x64x128xf32, #tpu.memory_space<vmem>> -> memref<1x64x128xf32, #tpu.memory_space<vmem>>
      %dma_start3A_123 = tpu.memref_squeeze %dma_start3A_122 : memref<1x64x128xf32, #tpu.memory_space<vmem>> -> memref<64x128xf32, #tpu.memory_space<vmem>>
      %dma_start3A_124 = arith.constant 0 : i32
      %dma_start3A_125 = tpu.memref_slice %arg10[%add3A_30, %dma_start3A_124] : memref<10112x128xf32, #tpu.memory_space<vmem_shared>> -> memref<64x128xf32, #tpu.memory_space<vmem_shared>>
      %dma_start3A_126 = arith.constant 0 : i32
      %dma_start3A_127 = tpu.memref_slice %arg10[%add3A_30, %dma_start3A_126] : memref<10112x128xf32, #tpu.memory_space<vmem_shared>> -> memref<64x128xf32, #tpu.memory_space<vmem_shared>>
      %dma_start3A_128 = arith.constant 0 : i32
      %dma_start3A_129 = arith.constant 0 : i32
      %dma_start3A_130 = tpu.memref_slice %arg8[%run_scoped3A_31, %dma_start3A_128, %dma_start3A_129] : memref<2x64x128xf32, #tpu.memory_space<vmem>> -> memref<1x64x128xf32, #tpu.memory_space<vmem>>
      %dma_start3A_131 = tpu.memref_squeeze %dma_start3A_130 : memref<1x64x128xf32, #tpu.memory_space<vmem>> -> memref<64x128xf32, #tpu.memory_space<vmem>>
      tpu.enqueue_dma source(%dma_start3A_131 : memref<64x128xf32, #tpu.memory_space<vmem>>) target(%dma_start3A_127 : memref<64x128xf32, #tpu.memory_space<vmem_shared>>) target_semaphore(%run_scoped3A_119 : memref<!tpu.dma_semaphore, #tpu.memory_space<semaphore_mem>>)
      %dma_wait3A_132 = arith.constant 0 : i32
      %dma_wait3A_133 = arith.constant 0 : i32
      %dma_wait3A_134 = tpu.memref_slice %arg8[%run_scoped3A_31, %dma_wait3A_132, %dma_wait3A_133] : memref<2x64x128xf32, #tpu.memory_space<vmem>> -> memref<1x64x128xf32, #tpu.memory_space<vmem>>
      %dma_wait3A_135 = tpu.memref_squeeze %dma_wait3A_134 : memref<1x64x128xf32, #tpu.memory_space<vmem>> -> memref<64x128xf32, #tpu.memory_space<vmem>>
      %dma_wait3A_136 = arith.constant 0 : i32
      %dma_wait3A_137 = tpu.memref_slice %arg10[%add3A_30, %dma_wait3A_136] : memref<10112x128xf32, #tpu.memory_space<vmem_shared>> -> memref<64x128xf32, #tpu.memory_space<vmem_shared>>
      %dma_wait3A_138 = arith.constant 0 : i32
      %dma_wait3A_139 = tpu.memref_slice %arg10[%add3A_30, %dma_wait3A_138] : memref<10112x128xf32, #tpu.memory_space<vmem_shared>> -> memref<64x128xf32, #tpu.memory_space<vmem_shared>>
      %dma_wait3A_140 = arith.constant 0 : i32
      %dma_wait3A_141 = arith.constant 0 : i32
      %dma_wait3A_142 = tpu.memref_slice %arg8[%run_scoped3A_31, %dma_wait3A_140, %dma_wait3A_141] : memref<2x64x128xf32, #tpu.memory_space<vmem>> -> memref<1x64x128xf32, #tpu.memory_space<vmem>>
      %dma_wait3A_143 = tpu.memref_squeeze %dma_wait3A_142 : memref<1x64x128xf32, #tpu.memory_space<vmem>> -> memref<64x128xf32, #tpu.memory_space<vmem>>
      tpu.wait_dma2 semaphore(%run_scoped3A_119 : memref<!tpu.dma_semaphore, #tpu.memory_space<semaphore_mem>>) src(%dma_wait3A_143 : memref<64x128xf32, #tpu.memory_space<vmem>>) dst(%dma_wait3A_139 : memref<64x128xf32, #tpu.memory_space<vmem_shared>>)
      tpu.yield
    }) : () -> ()
    %add3A_32 = arith.constant 256 : i32
    %add3A_33 = arith.addi %mul3A_9, %add3A_32 : i32
    "tpu.region"() ({
      %run_scoped3A_119 = tpu.sem_alloc : memref<!tpu.dma_semaphore, #tpu.memory_space<semaphore_mem>>
      %dma_start3A_120 = arith.constant 0 : i32
      %dma_start3A_121 = tpu.memref_slice %arg11[%add3A_33, %dma_start3A_120] : memref<10112x16xf32, #tpu.memory_space<vmem_shared>> -> memref<64x16xf32, #tpu.memory_space<vmem_shared>>
      %dma_start3A_122 = arith.constant 0 : i32
      %dma_start3A_123 = tpu.memref_slice %arg11[%add3A_33, %dma_start3A_122] : memref<10112x16xf32, #tpu.memory_space<vmem_shared>> -> memref<64x16xf32, #tpu.memory_space<vmem_shared>>
      tpu.enqueue_dma source(%arg9 : memref<64x16xf32, #tpu.memory_space<vmem>>) target(%dma_start3A_123 : memref<64x16xf32, #tpu.memory_space<vmem_shared>>) target_semaphore(%run_scoped3A_119 : memref<!tpu.dma_semaphore, #tpu.memory_space<semaphore_mem>>)
      %dma_wait3A_124 = arith.constant 0 : i32
      %dma_wait3A_125 = tpu.memref_slice %arg11[%add3A_33, %dma_wait3A_124] : memref<10112x16xf32, #tpu.memory_space<vmem_shared>> -> memref<64x16xf32, #tpu.memory_space<vmem_shared>>
      %dma_wait3A_126 = arith.constant 0 : i32
      %dma_wait3A_127 = tpu.memref_slice %arg11[%add3A_33, %dma_wait3A_126] : memref<10112x16xf32, #tpu.memory_space<vmem_shared>> -> memref<64x16xf32, #tpu.memory_space<vmem_shared>>
      tpu.wait_dma2 semaphore(%run_scoped3A_119 : memref<!tpu.dma_semaphore, #tpu.memory_space<semaphore_mem>>) src(%arg9 : memref<64x16xf32, #tpu.memory_space<vmem>>) dst(%dma_wait3A_127 : memref<64x16xf32, #tpu.memory_space<vmem_shared>>)
      tpu.yield
    }) : () -> ()
    %add3A_34 = arith.constant 320 : i32
    %add3A_35 = arith.addi %mul3A_9, %add3A_34 : i32
    %run_scoped3A_36 = arith.constant 0 : i32
    "tpu.region"() ({
      %run_scoped3A_119 = tpu.sem_alloc : memref<!tpu.dma_semaphore, #tpu.memory_space<semaphore_mem>>
      %dma_start3A_120 = arith.constant 0 : i32
      %dma_start3A_121 = arith.constant 0 : i32
      %dma_start3A_122 = tpu.memref_slice %arg8[%run_scoped3A_36, %dma_start3A_120, %dma_start3A_121] : memref<2x64x128xf32, #tpu.memory_space<vmem>> -> memref<1x64x128xf32, #tpu.memory_space<vmem>>
      %dma_start3A_123 = tpu.memref_squeeze %dma_start3A_122 : memref<1x64x128xf32, #tpu.memory_space<vmem>> -> memref<64x128xf32, #tpu.memory_space<vmem>>
      %dma_start3A_124 = arith.constant 0 : i32
      %dma_start3A_125 = tpu.memref_slice %arg10[%add3A_35, %dma_start3A_124] : memref<10112x128xf32, #tpu.memory_space<vmem_shared>> -> memref<64x128xf32, #tpu.memory_space<vmem_shared>>
      %dma_start3A_126 = arith.constant 0 : i32
      %dma_start3A_127 = tpu.memref_slice %arg10[%add3A_35, %dma_start3A_126] : memref<10112x128xf32, #tpu.memory_space<vmem_shared>> -> memref<64x128xf32, #tpu.memory_space<vmem_shared>>
      %dma_start3A_128 = arith.constant 0 : i32
      %dma_start3A_129 = arith.constant 0 : i32
      %dma_start3A_130 = tpu.memref_slice %arg8[%run_scoped3A_36, %dma_start3A_128, %dma_start3A_129] : memref<2x64x128xf32, #tpu.memory_space<vmem>> -> memref<1x64x128xf32, #tpu.memory_space<vmem>>
      %dma_start3A_131 = tpu.memref_squeeze %dma_start3A_130 : memref<1x64x128xf32, #tpu.memory_space<vmem>> -> memref<64x128xf32, #tpu.memory_space<vmem>>
      tpu.enqueue_dma source(%dma_start3A_131 : memref<64x128xf32, #tpu.memory_space<vmem>>) target(%dma_start3A_127 : memref<64x128xf32, #tpu.memory_space<vmem_shared>>) target_semaphore(%run_scoped3A_119 : memref<!tpu.dma_semaphore, #tpu.memory_space<semaphore_mem>>)
      %dma_wait3A_132 = arith.constant 0 : i32
      %dma_wait3A_133 = arith.constant 0 : i32
      %dma_wait3A_134 = tpu.memref_slice %arg8[%run_scoped3A_36, %dma_wait3A_132, %dma_wait3A_133] : memref<2x64x128xf32, #tpu.memory_space<vmem>> -> memref<1x64x128xf32, #tpu.memory_space<vmem>>
      %dma_wait3A_135 = tpu.memref_squeeze %dma_wait3A_134 : memref<1x64x128xf32, #tpu.memory_space<vmem>> -> memref<64x128xf32, #tpu.memory_space<vmem>>
      %dma_wait3A_136 = arith.constant 0 : i32
      %dma_wait3A_137 = tpu.memref_slice %arg10[%add3A_35, %dma_wait3A_136] : memref<10112x128xf32, #tpu.memory_space<vmem_shared>> -> memref<64x128xf32, #tpu.memory_space<vmem_shared>>
      %dma_wait3A_138 = arith.constant 0 : i32
      %dma_wait3A_139 = tpu.memref_slice %arg10[%add3A_35, %dma_wait3A_138] : memref<10112x128xf32, #tpu.memory_space<vmem_shared>> -> memref<64x128xf32, #tpu.memory_space<vmem_shared>>
      %dma_wait3A_140 = arith.constant 0 : i32
      %dma_wait3A_141 = arith.constant 0 : i32
      %dma_wait3A_142 = tpu.memref_slice %arg8[%run_scoped3A_36, %dma_wait3A_140, %dma_wait3A_141] : memref<2x64x128xf32, #tpu.memory_space<vmem>> -> memref<1x64x128xf32, #tpu.memory_space<vmem>>
      %dma_wait3A_143 = tpu.memref_squeeze %dma_wait3A_142 : memref<1x64x128xf32, #tpu.memory_space<vmem>> -> memref<64x128xf32, #tpu.memory_space<vmem>>
      tpu.wait_dma2 semaphore(%run_scoped3A_119 : memref<!tpu.dma_semaphore, #tpu.memory_space<semaphore_mem>>) src(%dma_wait3A_143 : memref<64x128xf32, #tpu.memory_space<vmem>>) dst(%dma_wait3A_139 : memref<64x128xf32, #tpu.memory_space<vmem_shared>>)
      tpu.yield
    }) : () -> ()
    %add3A_37 = arith.constant 320 : i32
    %add3A_38 = arith.addi %mul3A_9, %add3A_37 : i32
    "tpu.region"() ({
      %run_scoped3A_119 = tpu.sem_alloc : memref<!tpu.dma_semaphore, #tpu.memory_space<semaphore_mem>>
      %dma_start3A_120 = arith.constant 0 : i32
      %dma_start3A_121 = tpu.memref_slice %arg11[%add3A_38, %dma_start3A_120] : memref<10112x16xf32, #tpu.memory_space<vmem_shared>> -> memref<64x16xf32, #tpu.memory_space<vmem_shared>>
      %dma_start3A_122 = arith.constant 0 : i32
      %dma_start3A_123 = tpu.memref_slice %arg11[%add3A_38, %dma_start3A_122] : memref<10112x16xf32, #tpu.memory_space<vmem_shared>> -> memref<64x16xf32, #tpu.memory_space<vmem_shared>>
      tpu.enqueue_dma source(%arg9 : memref<64x16xf32, #tpu.memory_space<vmem>>) target(%dma_start3A_123 : memref<64x16xf32, #tpu.memory_space<vmem_shared>>) target_semaphore(%run_scoped3A_119 : memref<!tpu.dma_semaphore, #tpu.memory_space<semaphore_mem>>)
      %dma_wait3A_124 = arith.constant 0 : i32
      %dma_wait3A_125 = tpu.memref_slice %arg11[%add3A_38, %dma_wait3A_124] : memref<10112x16xf32, #tpu.memory_space<vmem_shared>> -> memref<64x16xf32, #tpu.memory_space<vmem_shared>>
      %dma_wait3A_126 = arith.constant 0 : i32
      %dma_wait3A_127 = tpu.memref_slice %arg11[%add3A_38, %dma_wait3A_126] : memref<10112x16xf32, #tpu.memory_space<vmem_shared>> -> memref<64x16xf32, #tpu.memory_space<vmem_shared>>
      tpu.wait_dma2 semaphore(%run_scoped3A_119 : memref<!tpu.dma_semaphore, #tpu.memory_space<semaphore_mem>>) src(%arg9 : memref<64x16xf32, #tpu.memory_space<vmem>>) dst(%dma_wait3A_127 : memref<64x16xf32, #tpu.memory_space<vmem_shared>>)
      tpu.yield
    }) : () -> ()
    %add3A_39 = arith.constant 384 : i32
    %add3A_40 = arith.addi %mul3A_9, %add3A_39 : i32
    %run_scoped3A_41 = arith.constant 0 : i32
    "tpu.region"() ({
      %run_scoped3A_119 = tpu.sem_alloc : memref<!tpu.dma_semaphore, #tpu.memory_space<semaphore_mem>>
      %dma_start3A_120 = arith.constant 0 : i32
      %dma_start3A_121 = arith.constant 0 : i32
      %dma_start3A_122 = tpu.memref_slice %arg8[%run_scoped3A_41, %dma_start3A_120, %dma_start3A_121] : memref<2x64x128xf32, #tpu.memory_space<vmem>> -> memref<1x64x128xf32, #tpu.memory_space<vmem>>
      %dma_start3A_123 = tpu.memref_squeeze %dma_start3A_122 : memref<1x64x128xf32, #tpu.memory_space<vmem>> -> memref<64x128xf32, #tpu.memory_space<vmem>>
      %dma_start3A_124 = arith.constant 0 : i32
      %dma_start3A_125 = tpu.memref_slice %arg10[%add3A_40, %dma_start3A_124] : memref<10112x128xf32, #tpu.memory_space<vmem_shared>> -> memref<64x128xf32, #tpu.memory_space<vmem_shared>>
      %dma_start3A_126 = arith.constant 0 : i32
      %dma_start3A_127 = tpu.memref_slice %arg10[%add3A_40, %dma_start3A_126] : memref<10112x128xf32, #tpu.memory_space<vmem_shared>> -> memref<64x128xf32, #tpu.memory_space<vmem_shared>>
      %dma_start3A_128 = arith.constant 0 : i32
      %dma_start3A_129 = arith.constant 0 : i32
      %dma_start3A_130 = tpu.memref_slice %arg8[%run_scoped3A_41, %dma_start3A_128, %dma_start3A_129] : memref<2x64x128xf32, #tpu.memory_space<vmem>> -> memref<1x64x128xf32, #tpu.memory_space<vmem>>
      %dma_start3A_131 = tpu.memref_squeeze %dma_start3A_130 : memref<1x64x128xf32, #tpu.memory_space<vmem>> -> memref<64x128xf32, #tpu.memory_space<vmem>>
      tpu.enqueue_dma source(%dma_start3A_131 : memref<64x128xf32, #tpu.memory_space<vmem>>) target(%dma_start3A_127 : memref<64x128xf32, #tpu.memory_space<vmem_shared>>) target_semaphore(%run_scoped3A_119 : memref<!tpu.dma_semaphore, #tpu.memory_space<semaphore_mem>>)
      %dma_wait3A_132 = arith.constant 0 : i32
      %dma_wait3A_133 = arith.constant 0 : i32
      %dma_wait3A_134 = tpu.memref_slice %arg8[%run_scoped3A_41, %dma_wait3A_132, %dma_wait3A_133] : memref<2x64x128xf32, #tpu.memory_space<vmem>> -> memref<1x64x128xf32, #tpu.memory_space<vmem>>
      %dma_wait3A_135 = tpu.memref_squeeze %dma_wait3A_134 : memref<1x64x128xf32, #tpu.memory_space<vmem>> -> memref<64x128xf32, #tpu.memory_space<vmem>>
      %dma_wait3A_136 = arith.constant 0 : i32
      %dma_wait3A_137 = tpu.memref_slice %arg10[%add3A_40, %dma_wait3A_136] : memref<10112x128xf32, #tpu.memory_space<vmem_shared>> -> memref<64x128xf32, #tpu.memory_space<vmem_shared>>
      %dma_wait3A_138 = arith.constant 0 : i32
      %dma_wait3A_139 = tpu.memref_slice %arg10[%add3A_40, %dma_wait3A_138] : memref<10112x128xf32, #tpu.memory_space<vmem_shared>> -> memref<64x128xf32, #tpu.memory_space<vmem_shared>>
      %dma_wait3A_140 = arith.constant 0 : i32
      %dma_wait3A_141 = arith.constant 0 : i32
      %dma_wait3A_142 = tpu.memref_slice %arg8[%run_scoped3A_41, %dma_wait3A_140, %dma_wait3A_141] : memref<2x64x128xf32, #tpu.memory_space<vmem>> -> memref<1x64x128xf32, #tpu.memory_space<vmem>>
      %dma_wait3A_143 = tpu.memref_squeeze %dma_wait3A_142 : memref<1x64x128xf32, #tpu.memory_space<vmem>> -> memref<64x128xf32, #tpu.memory_space<vmem>>
      tpu.wait_dma2 semaphore(%run_scoped3A_119 : memref<!tpu.dma_semaphore, #tpu.memory_space<semaphore_mem>>) src(%dma_wait3A_143 : memref<64x128xf32, #tpu.memory_space<vmem>>) dst(%dma_wait3A_139 : memref<64x128xf32, #tpu.memory_space<vmem_shared>>)
      tpu.yield
    }) : () -> ()
    %add3A_42 = arith.constant 384 : i32
    %add3A_43 = arith.addi %mul3A_9, %add3A_42 : i32
    "tpu.region"() ({
      %run_scoped3A_119 = tpu.sem_alloc : memref<!tpu.dma_semaphore, #tpu.memory_space<semaphore_mem>>
      %dma_start3A_120 = arith.constant 0 : i32
      %dma_start3A_121 = tpu.memref_slice %arg11[%add3A_43, %dma_start3A_120] : memref<10112x16xf32, #tpu.memory_space<vmem_shared>> -> memref<64x16xf32, #tpu.memory_space<vmem_shared>>
      %dma_start3A_122 = arith.constant 0 : i32
      %dma_start3A_123 = tpu.memref_slice %arg11[%add3A_43, %dma_start3A_122] : memref<10112x16xf32, #tpu.memory_space<vmem_shared>> -> memref<64x16xf32, #tpu.memory_space<vmem_shared>>
      tpu.enqueue_dma source(%arg9 : memref<64x16xf32, #tpu.memory_space<vmem>>) target(%dma_start3A_123 : memref<64x16xf32, #tpu.memory_space<vmem_shared>>) target_semaphore(%run_scoped3A_119 : memref<!tpu.dma_semaphore, #tpu.memory_space<semaphore_mem>>)
      %dma_wait3A_124 = arith.constant 0 : i32
      %dma_wait3A_125 = tpu.memref_slice %arg11[%add3A_43, %dma_wait3A_124] : memref<10112x16xf32, #tpu.memory_space<vmem_shared>> -> memref<64x16xf32, #tpu.memory_space<vmem_shared>>
      %dma_wait3A_126 = arith.constant 0 : i32
      %dma_wait3A_127 = tpu.memref_slice %arg11[%add3A_43, %dma_wait3A_126] : memref<10112x16xf32, #tpu.memory_space<vmem_shared>> -> memref<64x16xf32, #tpu.memory_space<vmem_shared>>
      tpu.wait_dma2 semaphore(%run_scoped3A_119 : memref<!tpu.dma_semaphore, #tpu.memory_space<semaphore_mem>>) src(%arg9 : memref<64x16xf32, #tpu.memory_space<vmem>>) dst(%dma_wait3A_127 : memref<64x16xf32, #tpu.memory_space<vmem_shared>>)
      tpu.yield
    }) : () -> ()
    %add3A_44 = arith.constant 448 : i32
    %add3A_45 = arith.addi %mul3A_9, %add3A_44 : i32
    %run_scoped3A_46 = arith.constant 0 : i32
    "tpu.region"() ({
      %run_scoped3A_119 = tpu.sem_alloc : memref<!tpu.dma_semaphore, #tpu.memory_space<semaphore_mem>>
      %dma_start3A_120 = arith.constant 0 : i32
      %dma_start3A_121 = arith.constant 0 : i32
      %dma_start3A_122 = tpu.memref_slice %arg8[%run_scoped3A_46, %dma_start3A_120, %dma_start3A_121] : memref<2x64x128xf32, #tpu.memory_space<vmem>> -> memref<1x64x128xf32, #tpu.memory_space<vmem>>
      %dma_start3A_123 = tpu.memref_squeeze %dma_start3A_122 : memref<1x64x128xf32, #tpu.memory_space<vmem>> -> memref<64x128xf32, #tpu.memory_space<vmem>>
      %dma_start3A_124 = arith.constant 0 : i32
      %dma_start3A_125 = tpu.memref_slice %arg10[%add3A_45, %dma_start3A_124] : memref<10112x128xf32, #tpu.memory_space<vmem_shared>> -> memref<64x128xf32, #tpu.memory_space<vmem_shared>>
      %dma_start3A_126 = arith.constant 0 : i32
      %dma_start3A_127 = tpu.memref_slice %arg10[%add3A_45, %dma_start3A_126] : memref<10112x128xf32, #tpu.memory_space<vmem_shared>> -> memref<64x128xf32, #tpu.memory_space<vmem_shared>>
      %dma_start3A_128 = arith.constant 0 : i32
      %dma_start3A_129 = arith.constant 0 : i32
      %dma_start3A_130 = tpu.memref_slice %arg8[%run_scoped3A_46, %dma_start3A_128, %dma_start3A_129] : memref<2x64x128xf32, #tpu.memory_space<vmem>> -> memref<1x64x128xf32, #tpu.memory_space<vmem>>
      %dma_start3A_131 = tpu.memref_squeeze %dma_start3A_130 : memref<1x64x128xf32, #tpu.memory_space<vmem>> -> memref<64x128xf32, #tpu.memory_space<vmem>>
      tpu.enqueue_dma source(%dma_start3A_131 : memref<64x128xf32, #tpu.memory_space<vmem>>) target(%dma_start3A_127 : memref<64x128xf32, #tpu.memory_space<vmem_shared>>) target_semaphore(%run_scoped3A_119 : memref<!tpu.dma_semaphore, #tpu.memory_space<semaphore_mem>>)
      %dma_wait3A_132 = arith.constant 0 : i32
      %dma_wait3A_133 = arith.constant 0 : i32
      %dma_wait3A_134 = tpu.memref_slice %arg8[%run_scoped3A_46, %dma_wait3A_132, %dma_wait3A_133] : memref<2x64x128xf32, #tpu.memory_space<vmem>> -> memref<1x64x128xf32, #tpu.memory_space<vmem>>
      %dma_wait3A_135 = tpu.memref_squeeze %dma_wait3A_134 : memref<1x64x128xf32, #tpu.memory_space<vmem>> -> memref<64x128xf32, #tpu.memory_space<vmem>>
      %dma_wait3A_136 = arith.constant 0 : i32
      %dma_wait3A_137 = tpu.memref_slice %arg10[%add3A_45, %dma_wait3A_136] : memref<10112x128xf32, #tpu.memory_space<vmem_shared>> -> memref<64x128xf32, #tpu.memory_space<vmem_shared>>
      %dma_wait3A_138 = arith.constant 0 : i32
      %dma_wait3A_139 = tpu.memref_slice %arg10[%add3A_45, %dma_wait3A_138] : memref<10112x128xf32, #tpu.memory_space<vmem_shared>> -> memref<64x128xf32, #tpu.memory_space<vmem_shared>>
      %dma_wait3A_140 = arith.constant 0 : i32
      %dma_wait3A_141 = arith.constant 0 : i32
      %dma_wait3A_142 = tpu.memref_slice %arg8[%run_scoped3A_46, %dma_wait3A_140, %dma_wait3A_141] : memref<2x64x128xf32, #tpu.memory_space<vmem>> -> memref<1x64x128xf32, #tpu.memory_space<vmem>>
      %dma_wait3A_143 = tpu.memref_squeeze %dma_wait3A_142 : memref<1x64x128xf32, #tpu.memory_space<vmem>> -> memref<64x128xf32, #tpu.memory_space<vmem>>
      tpu.wait_dma2 semaphore(%run_scoped3A_119 : memref<!tpu.dma_semaphore, #tpu.memory_space<semaphore_mem>>) src(%dma_wait3A_143 : memref<64x128xf32, #tpu.memory_space<vmem>>) dst(%dma_wait3A_139 : memref<64x128xf32, #tpu.memory_space<vmem_shared>>)
      tpu.yield
    }) : () -> ()
    %add3A_47 = arith.constant 448 : i32
    %add3A_48 = arith.addi %mul3A_9, %add3A_47 : i32
    "tpu.region"() ({
      %run_scoped3A_119 = tpu.sem_alloc : memref<!tpu.dma_semaphore, #tpu.memory_space<semaphore_mem>>
      %dma_start3A_120 = arith.constant 0 : i32
      %dma_start3A_121 = tpu.memref_slice %arg11[%add3A_48, %dma_start3A_120] : memref<10112x16xf32, #tpu.memory_space<vmem_shared>> -> memref<64x16xf32, #tpu.memory_space<vmem_shared>>
      %dma_start3A_122 = arith.constant 0 : i32
      %dma_start3A_123 = tpu.memref_slice %arg11[%add3A_48, %dma_start3A_122] : memref<10112x16xf32, #tpu.memory_space<vmem_shared>> -> memref<64x16xf32, #tpu.memory_space<vmem_shared>>
      tpu.enqueue_dma source(%arg9 : memref<64x16xf32, #tpu.memory_space<vmem>>) target(%dma_start3A_123 : memref<64x16xf32, #tpu.memory_space<vmem_shared>>) target_semaphore(%run_scoped3A_119 : memref<!tpu.dma_semaphore, #tpu.memory_space<semaphore_mem>>)
      %dma_wait3A_124 = arith.constant 0 : i32
      %dma_wait3A_125 = tpu.memref_slice %arg11[%add3A_48, %dma_wait3A_124] : memref<10112x16xf32, #tpu.memory_space<vmem_shared>> -> memref<64x16xf32, #tpu.memory_space<vmem_shared>>
      %dma_wait3A_126 = arith.constant 0 : i32
      %dma_wait3A_127 = tpu.memref_slice %arg11[%add3A_48, %dma_wait3A_126] : memref<10112x16xf32, #tpu.memory_space<vmem_shared>> -> memref<64x16xf32, #tpu.memory_space<vmem_shared>>
      tpu.wait_dma2 semaphore(%run_scoped3A_119 : memref<!tpu.dma_semaphore, #tpu.memory_space<semaphore_mem>>) src(%arg9 : memref<64x16xf32, #tpu.memory_space<vmem>>) dst(%dma_wait3A_127 : memref<64x16xf32, #tpu.memory_space<vmem_shared>>)
      tpu.yield
    }) : () -> ()
    %add3A_49 = arith.constant 512 : i32
    %add3A_50 = arith.addi %mul3A_9, %add3A_49 : i32
    %run_scoped3A_51 = arith.constant 0 : i32
    "tpu.region"() ({
      %run_scoped3A_119 = tpu.sem_alloc : memref<!tpu.dma_semaphore, #tpu.memory_space<semaphore_mem>>
      %dma_start3A_120 = arith.constant 0 : i32
      %dma_start3A_121 = arith.constant 0 : i32
      %dma_start3A_122 = tpu.memref_slice %arg8[%run_scoped3A_51, %dma_start3A_120, %dma_start3A_121] : memref<2x64x128xf32, #tpu.memory_space<vmem>> -> memref<1x64x128xf32, #tpu.memory_space<vmem>>
      %dma_start3A_123 = tpu.memref_squeeze %dma_start3A_122 : memref<1x64x128xf32, #tpu.memory_space<vmem>> -> memref<64x128xf32, #tpu.memory_space<vmem>>
      %dma_start3A_124 = arith.constant 0 : i32
      %dma_start3A_125 = tpu.memref_slice %arg10[%add3A_50, %dma_start3A_124] : memref<10112x128xf32, #tpu.memory_space<vmem_shared>> -> memref<64x128xf32, #tpu.memory_space<vmem_shared>>
      %dma_start3A_126 = arith.constant 0 : i32
      %dma_start3A_127 = tpu.memref_slice %arg10[%add3A_50, %dma_start3A_126] : memref<10112x128xf32, #tpu.memory_space<vmem_shared>> -> memref<64x128xf32, #tpu.memory_space<vmem_shared>>
      %dma_start3A_128 = arith.constant 0 : i32
      %dma_start3A_129 = arith.constant 0 : i32
      %dma_start3A_130 = tpu.memref_slice %arg8[%run_scoped3A_51, %dma_start3A_128, %dma_start3A_129] : memref<2x64x128xf32, #tpu.memory_space<vmem>> -> memref<1x64x128xf32, #tpu.memory_space<vmem>>
      %dma_start3A_131 = tpu.memref_squeeze %dma_start3A_130 : memref<1x64x128xf32, #tpu.memory_space<vmem>> -> memref<64x128xf32, #tpu.memory_space<vmem>>
      tpu.enqueue_dma source(%dma_start3A_131 : memref<64x128xf32, #tpu.memory_space<vmem>>) target(%dma_start3A_127 : memref<64x128xf32, #tpu.memory_space<vmem_shared>>) target_semaphore(%run_scoped3A_119 : memref<!tpu.dma_semaphore, #tpu.memory_space<semaphore_mem>>)
      %dma_wait3A_132 = arith.constant 0 : i32
      %dma_wait3A_133 = arith.constant 0 : i32
      %dma_wait3A_134 = tpu.memref_slice %arg8[%run_scoped3A_51, %dma_wait3A_132, %dma_wait3A_133] : memref<2x64x128xf32, #tpu.memory_space<vmem>> -> memref<1x64x128xf32, #tpu.memory_space<vmem>>
      %dma_wait3A_135 = tpu.memref_squeeze %dma_wait3A_134 : memref<1x64x128xf32, #tpu.memory_space<vmem>> -> memref<64x128xf32, #tpu.memory_space<vmem>>
      %dma_wait3A_136 = arith.constant 0 : i32
      %dma_wait3A_137 = tpu.memref_slice %arg10[%add3A_50, %dma_wait3A_136] : memref<10112x128xf32, #tpu.memory_space<vmem_shared>> -> memref<64x128xf32, #tpu.memory_space<vmem_shared>>
      %dma_wait3A_138 = arith.constant 0 : i32
      %dma_wait3A_139 = tpu.memref_slice %arg10[%add3A_50, %dma_wait3A_138] : memref<10112x128xf32, #tpu.memory_space<vmem_shared>> -> memref<64x128xf32, #tpu.memory_space<vmem_shared>>
      %dma_wait3A_140 = arith.constant 0 : i32
      %dma_wait3A_141 = arith.constant 0 : i32
      %dma_wait3A_142 = tpu.memref_slice %arg8[%run_scoped3A_51, %dma_wait3A_140, %dma_wait3A_141] : memref<2x64x128xf32, #tpu.memory_space<vmem>> -> memref<1x64x128xf32, #tpu.memory_space<vmem>>
      %dma_wait3A_143 = tpu.memref_squeeze %dma_wait3A_142 : memref<1x64x128xf32, #tpu.memory_space<vmem>> -> memref<64x128xf32, #tpu.memory_space<vmem>>
      tpu.wait_dma2 semaphore(%run_scoped3A_119 : memref<!tpu.dma_semaphore, #tpu.memory_space<semaphore_mem>>) src(%dma_wait3A_143 : memref<64x128xf32, #tpu.memory_space<vmem>>) dst(%dma_wait3A_139 : memref<64x128xf32, #tpu.memory_space<vmem_shared>>)
      tpu.yield
    }) : () -> ()
    %add3A_52 = arith.constant 512 : i32
    %add3A_53 = arith.addi %mul3A_9, %add3A_52 : i32
    "tpu.region"() ({
      %run_scoped3A_119 = tpu.sem_alloc : memref<!tpu.dma_semaphore, #tpu.memory_space<semaphore_mem>>
      %dma_start3A_120 = arith.constant 0 : i32
      %dma_start3A_121 = tpu.memref_slice %arg11[%add3A_53, %dma_start3A_120] : memref<10112x16xf32, #tpu.memory_space<vmem_shared>> -> memref<64x16xf32, #tpu.memory_space<vmem_shared>>
      %dma_start3A_122 = arith.constant 0 : i32
      %dma_start3A_123 = tpu.memref_slice %arg11[%add3A_53, %dma_start3A_122] : memref<10112x16xf32, #tpu.memory_space<vmem_shared>> -> memref<64x16xf32, #tpu.memory_space<vmem_shared>>
      tpu.enqueue_dma source(%arg9 : memref<64x16xf32, #tpu.memory_space<vmem>>) target(%dma_start3A_123 : memref<64x16xf32, #tpu.memory_space<vmem_shared>>) target_semaphore(%run_scoped3A_119 : memref<!tpu.dma_semaphore, #tpu.memory_space<semaphore_mem>>)
      %dma_wait3A_124 = arith.constant 0 : i32
      %dma_wait3A_125 = tpu.memref_slice %arg11[%add3A_53, %dma_wait3A_124] : memref<10112x16xf32, #tpu.memory_space<vmem_shared>> -> memref<64x16xf32, #tpu.memory_space<vmem_shared>>
      %dma_wait3A_126 = arith.constant 0 : i32
      %dma_wait3A_127 = tpu.memref_slice %arg11[%add3A_53, %dma_wait3A_126] : memref<10112x16xf32, #tpu.memory_space<vmem_shared>> -> memref<64x16xf32, #tpu.memory_space<vmem_shared>>
      tpu.wait_dma2 semaphore(%run_scoped3A_119 : memref<!tpu.dma_semaphore, #tpu.memory_space<semaphore_mem>>) src(%arg9 : memref<64x16xf32, #tpu.memory_space<vmem>>) dst(%dma_wait3A_127 : memref<64x16xf32, #tpu.memory_space<vmem_shared>>)
      tpu.yield
    }) : () -> ()
    %add3A_54 = arith.constant 576 : i32
    %add3A_55 = arith.addi %mul3A_9, %add3A_54 : i32
    %run_scoped3A_56 = arith.constant 0 : i32
    "tpu.region"() ({
      %run_scoped3A_119 = tpu.sem_alloc : memref<!tpu.dma_semaphore, #tpu.memory_space<semaphore_mem>>
      %dma_start3A_120 = arith.constant 0 : i32
      %dma_start3A_121 = arith.constant 0 : i32
      %dma_start3A_122 = tpu.memref_slice %arg8[%run_scoped3A_56, %dma_start3A_120, %dma_start3A_121] : memref<2x64x128xf32, #tpu.memory_space<vmem>> -> memref<1x56x128xf32, #tpu.memory_space<vmem>>
      %dma_start3A_123 = tpu.memref_squeeze %dma_start3A_122 : memref<1x56x128xf32, #tpu.memory_space<vmem>> -> memref<56x128xf32, #tpu.memory_space<vmem>>
      %dma_start3A_124 = arith.constant 0 : i32
      %dma_start3A_125 = tpu.memref_slice %arg10[%add3A_55, %dma_start3A_124] : memref<10112x128xf32, #tpu.memory_space<vmem_shared>> -> memref<56x128xf32, #tpu.memory_space<vmem_shared>>
      %dma_start3A_126 = arith.constant 0 : i32
      %dma_start3A_127 = tpu.memref_slice %arg10[%add3A_55, %dma_start3A_126] : memref<10112x128xf32, #tpu.memory_space<vmem_shared>> -> memref<56x128xf32, #tpu.memory_space<vmem_shared>>
      %dma_start3A_128 = arith.constant 0 : i32
      %dma_start3A_129 = arith.constant 0 : i32
      %dma_start3A_130 = tpu.memref_slice %arg8[%run_scoped3A_56, %dma_start3A_128, %dma_start3A_129] : memref<2x64x128xf32, #tpu.memory_space<vmem>> -> memref<1x56x128xf32, #tpu.memory_space<vmem>>
      %dma_start3A_131 = tpu.memref_squeeze %dma_start3A_130 : memref<1x56x128xf32, #tpu.memory_space<vmem>> -> memref<56x128xf32, #tpu.memory_space<vmem>>
      tpu.enqueue_dma source(%dma_start3A_131 : memref<56x128xf32, #tpu.memory_space<vmem>>) target(%dma_start3A_127 : memref<56x128xf32, #tpu.memory_space<vmem_shared>>) target_semaphore(%run_scoped3A_119 : memref<!tpu.dma_semaphore, #tpu.memory_space<semaphore_mem>>)
      %dma_wait3A_132 = arith.constant 0 : i32
      %dma_wait3A_133 = arith.constant 0 : i32
      %dma_wait3A_134 = tpu.memref_slice %arg8[%run_scoped3A_56, %dma_wait3A_132, %dma_wait3A_133] : memref<2x64x128xf32, #tpu.memory_space<vmem>> -> memref<1x56x128xf32, #tpu.memory_space<vmem>>
      %dma_wait3A_135 = tpu.memref_squeeze %dma_wait3A_134 : memref<1x56x128xf32, #tpu.memory_space<vmem>> -> memref<56x128xf32, #tpu.memory_space<vmem>>
      %dma_wait3A_136 = arith.constant 0 : i32
      %dma_wait3A_137 = tpu.memref_slice %arg10[%add3A_55, %dma_wait3A_136] : memref<10112x128xf32, #tpu.memory_space<vmem_shared>> -> memref<56x128xf32, #tpu.memory_space<vmem_shared>>
      %dma_wait3A_138 = arith.constant 0 : i32
      %dma_wait3A_139 = tpu.memref_slice %arg10[%add3A_55, %dma_wait3A_138] : memref<10112x128xf32, #tpu.memory_space<vmem_shared>> -> memref<56x128xf32, #tpu.memory_space<vmem_shared>>
      %dma_wait3A_140 = arith.constant 0 : i32
      %dma_wait3A_141 = arith.constant 0 : i32
      %dma_wait3A_142 = tpu.memref_slice %arg8[%run_scoped3A_56, %dma_wait3A_140, %dma_wait3A_141] : memref<2x64x128xf32, #tpu.memory_space<vmem>> -> memref<1x56x128xf32, #tpu.memory_space<vmem>>
      %dma_wait3A_143 = tpu.memref_squeeze %dma_wait3A_142 : memref<1x56x128xf32, #tpu.memory_space<vmem>> -> memref<56x128xf32, #tpu.memory_space<vmem>>
      tpu.wait_dma2 semaphore(%run_scoped3A_119 : memref<!tpu.dma_semaphore, #tpu.memory_space<semaphore_mem>>) src(%dma_wait3A_143 : memref<56x128xf32, #tpu.memory_space<vmem>>) dst(%dma_wait3A_139 : memref<56x128xf32, #tpu.memory_space<vmem_shared>>)
      tpu.yield
    }) : () -> ()
    %add3A_57 = arith.constant 576 : i32
    %add3A_58 = arith.addi %mul3A_9, %add3A_57 : i32
    "tpu.region"() ({
      %run_scoped3A_119 = tpu.sem_alloc : memref<!tpu.dma_semaphore, #tpu.memory_space<semaphore_mem>>
      %dma_start3A_120 = arith.constant 0 : i32
      %dma_start3A_121 = arith.constant 0 : i32
      %dma_start3A_122 = tpu.memref_slice %arg9[%dma_start3A_120, %dma_start3A_121] : memref<64x16xf32, #tpu.memory_space<vmem>> -> memref<56x16xf32, #tpu.memory_space<vmem>>
      %dma_start3A_123 = arith.constant 0 : i32
      %dma_start3A_124 = tpu.memref_slice %arg11[%add3A_58, %dma_start3A_123] : memref<10112x16xf32, #tpu.memory_space<vmem_shared>> -> memref<56x16xf32, #tpu.memory_space<vmem_shared>>
      %dma_start3A_125 = arith.constant 0 : i32
      %dma_start3A_126 = tpu.memref_slice %arg11[%add3A_58, %dma_start3A_125] : memref<10112x16xf32, #tpu.memory_space<vmem_shared>> -> memref<56x16xf32, #tpu.memory_space<vmem_shared>>
      %dma_start3A_127 = arith.constant 0 : i32
      %dma_start3A_128 = arith.constant 0 : i32
      %dma_start3A_129 = tpu.memref_slice %arg9[%dma_start3A_127, %dma_start3A_128] : memref<64x16xf32, #tpu.memory_space<vmem>> -> memref<56x16xf32, #tpu.memory_space<vmem>>
      tpu.enqueue_dma source(%dma_start3A_129 : memref<56x16xf32, #tpu.memory_space<vmem>>) target(%dma_start3A_126 : memref<56x16xf32, #tpu.memory_space<vmem_shared>>) target_semaphore(%run_scoped3A_119 : memref<!tpu.dma_semaphore, #tpu.memory_space<semaphore_mem>>)
      %dma_wait3A_130 = arith.constant 0 : i32
      %dma_wait3A_131 = arith.constant 0 : i32
      %dma_wait3A_132 = tpu.memref_slice %arg9[%dma_wait3A_130, %dma_wait3A_131] : memref<64x16xf32, #tpu.memory_space<vmem>> -> memref<56x16xf32, #tpu.memory_space<vmem>>
      %dma_wait3A_133 = arith.constant 0 : i32
      %dma_wait3A_134 = tpu.memref_slice %arg11[%add3A_58, %dma_wait3A_133] : memref<10112x16xf32, #tpu.memory_space<vmem_shared>> -> memref<56x16xf32, #tpu.memory_space<vmem_shared>>
      %dma_wait3A_135 = arith.constant 0 : i32
      %dma_wait3A_136 = tpu.memref_slice %arg11[%add3A_58, %dma_wait3A_135] : memref<10112x16xf32, #tpu.memory_space<vmem_shared>> -> memref<56x16xf32, #tpu.memory_space<vmem_shared>>
      %dma_wait3A_137 = arith.constant 0 : i32
      %dma_wait3A_138 = arith.constant 0 : i32
      %dma_wait3A_139 = tpu.memref_slice %arg9[%dma_wait3A_137, %dma_wait3A_138] : memref<64x16xf32, #tpu.memory_space<vmem>> -> memref<56x16xf32, #tpu.memory_space<vmem>>
      tpu.wait_dma2 semaphore(%run_scoped3A_119 : memref<!tpu.dma_semaphore, #tpu.memory_space<semaphore_mem>>) src(%dma_wait3A_139 : memref<56x16xf32, #tpu.memory_space<vmem>>) dst(%dma_wait3A_136 : memref<56x16xf32, #tpu.memory_space<vmem_shared>>)
      tpu.yield
    }) : () -> ()
    %broadcast_in_dim3A_59 = arith.constant 1.000000e+00 : f32
    %broadcast_in_dim3A_60 = vector.broadcast %broadcast_in_dim3A_59 : f32 to vector<16xf32>
    %scan3A_61 = arith.constant 0 : i32
    %scan3A_62 = arith.constant 0 : i32
    %scan3A_63 = arith.constant 64 : i32
    %scan3A_64 = arith.addi %scan3A_62, %scan3A_63 : i32
    %scan3A_65 = arith.constant 1 : i32
    %scan3A_66 = scf.for %scan3A_119 = %scan3A_62 to %scan3A_64 step %scan3A_65 iter_args(%scan3A_120 = %scan3A_61) -> (i32)  : i32 {
      %swap3A = arith.index_cast %scan3A_119 : i32 to index
      %swap3A_121 = arith.constant 0 : index
      %swap3A_122 = tpu.vector_load %arg9[%swap3A, %swap3A_121] {strides = array<i32>} : memref<64x16xf32, #tpu.memory_space<vmem>>, vector<1x16xf32>,
      %swap3A_123 = vector.shape_cast %swap3A_122 : vector<1x16xf32> to vector<16xf32>
      %swap3A_124 = vector.shape_cast %broadcast_in_dim3A_60 : vector<16xf32> to vector<1x16xf32>
      tpu.vector_store %arg9[%swap3A, %swap3A_121], %swap3A_124 {strides = array<i32>} : memref<64x16xf32, #tpu.memory_space<vmem>>, vector<1x16xf32>,
      %scan3A_125 = arith.constant 0 : i32
      scf.yield %scan3A_125 : i32
    }
    %scan3A_67 = arith.constant 64 : i32
    %mul3A_68 = arith.constant 10000 : i32
    %mul3A_69 = arith.muli %add3A, %mul3A_68 : i32
    %run_scoped3A_70 = arith.constant 0 : i32
    "tpu.region"() ({
      %run_scoped3A_119 = tpu.sem_alloc : memref<!tpu.dma_semaphore, #tpu.memory_space<semaphore_mem>>
      %dma_start3A_120 = tpu.memref_slice %arg3[%run_scoped3A_70, %mul3A_69] : memref<2x320000xi32, #tpu.memory_space<hbm>> -> memref<1x10000xi32, #tpu.memory_space<hbm>>
      %dma_start3A_121 = tpu.memref_squeeze %dma_start3A_120 : memref<1x10000xi32, #tpu.memory_space<hbm>> -> memref<10000xi32, #tpu.memory_space<hbm>>
      %dma_start3A_122 = tpu.memref_slice %arg3[%run_scoped3A_70, %mul3A_69] : memref<2x320000xi32, #tpu.memory_space<hbm>> -> memref<1x10000xi32, #tpu.memory_space<hbm>>
      %dma_start3A_123 = tpu.memref_squeeze %dma_start3A_122 : memref<1x10000xi32, #tpu.memory_space<hbm>> -> memref<10000xi32, #tpu.memory_space<hbm>>
      tpu.enqueue_dma source(%dma_start3A_123 : memref<10000xi32, #tpu.memory_space<hbm>>) target(%arg6 : memref<10000xi32, #tpu.memory_space<vmem>>) target_semaphore(%run_scoped3A_119 : memref<!tpu.dma_semaphore, #tpu.memory_space<semaphore_mem>>)
      %dma_wait3A_124 = tpu.memref_slice %arg3[%run_scoped3A_70, %mul3A_69] : memref<2x320000xi32, #tpu.memory_space<hbm>> -> memref<1x10000xi32, #tpu.memory_space<hbm>>
      %dma_wait3A_125 = tpu.memref_squeeze %dma_wait3A_124 : memref<1x10000xi32, #tpu.memory_space<hbm>> -> memref<10000xi32, #tpu.memory_space<hbm>>
      %dma_wait3A_126 = tpu.memref_slice %arg3[%run_scoped3A_70, %mul3A_69] : memref<2x320000xi32, #tpu.memory_space<hbm>> -> memref<1x10000xi32, #tpu.memory_space<hbm>>
      %dma_wait3A_127 = tpu.memref_squeeze %dma_wait3A_126 : memref<1x10000xi32, #tpu.memory_space<hbm>> -> memref<10000xi32, #tpu.memory_space<hbm>>
      tpu.wait_dma2 semaphore(%run_scoped3A_119 : memref<!tpu.dma_semaphore, #tpu.memory_space<semaphore_mem>>) src(%dma_wait3A_127 : memref<10000xi32, #tpu.memory_space<hbm>>) dst(%arg6 : memref<10000xi32, #tpu.memory_space<vmem>>)
      tpu.yield
    }) : () -> ()
    %mul3A_71 = arith.constant 10000 : i32
    %mul3A_72 = arith.muli %add3A, %mul3A_71 : i32
    %run_scoped3A_73 = arith.constant 1 : i32
    "tpu.region"() ({
      %run_scoped3A_119 = tpu.sem_alloc : memref<!tpu.dma_semaphore, #tpu.memory_space<semaphore_mem>>
      %dma_start3A_120 = tpu.memref_slice %arg3[%run_scoped3A_73, %mul3A_72] : memref<2x320000xi32, #tpu.memory_space<hbm>> -> memref<1x10000xi32, #tpu.memory_space<hbm>>
      %dma_start3A_121 = tpu.memref_squeeze %dma_start3A_120 : memref<1x10000xi32, #tpu.memory_space<hbm>> -> memref<10000xi32, #tpu.memory_space<hbm>>
      %dma_start3A_122 = tpu.memref_slice %arg3[%run_scoped3A_73, %mul3A_72] : memref<2x320000xi32, #tpu.memory_space<hbm>> -> memref<1x10000xi32, #tpu.memory_space<hbm>>
      %dma_start3A_123 = tpu.memref_squeeze %dma_start3A_122 : memref<1x10000xi32, #tpu.memory_space<hbm>> -> memref<10000xi32, #tpu.memory_space<hbm>>
      tpu.enqueue_dma source(%dma_start3A_123 : memref<10000xi32, #tpu.memory_space<hbm>>) target(%arg7 : memref<10000xi32, #tpu.memory_space<vmem>>) target_semaphore(%run_scoped3A_119 : memref<!tpu.dma_semaphore, #tpu.memory_space<semaphore_mem>>)
      %dma_wait3A_124 = tpu.memref_slice %arg3[%run_scoped3A_73, %mul3A_72] : memref<2x320000xi32, #tpu.memory_space<hbm>> -> memref<1x10000xi32, #tpu.memory_space<hbm>>
      %dma_wait3A_125 = tpu.memref_squeeze %dma_wait3A_124 : memref<1x10000xi32, #tpu.memory_space<hbm>> -> memref<10000xi32, #tpu.memory_space<hbm>>
      %dma_wait3A_126 = tpu.memref_slice %arg3[%run_scoped3A_73, %mul3A_72] : memref<2x320000xi32, #tpu.memory_space<hbm>> -> memref<1x10000xi32, #tpu.memory_space<hbm>>
      %dma_wait3A_127 = tpu.memref_squeeze %dma_wait3A_126 : memref<1x10000xi32, #tpu.memory_space<hbm>> -> memref<10000xi32, #tpu.memory_space<hbm>>
      tpu.wait_dma2 semaphore(%run_scoped3A_119 : memref<!tpu.dma_semaphore, #tpu.memory_space<semaphore_mem>>) src(%dma_wait3A_127 : memref<10000xi32, #tpu.memory_space<hbm>>) dst(%arg7 : memref<10000xi32, #tpu.memory_space<vmem>>)
      tpu.yield
    }) : () -> ()
    %barrier3A = arith.constant 0 : index
    tpu.barrier barrier_id(%barrier3A)
    %dma_start3A = arith.constant 0 : i32
    %dma_start3A_74 = arith.constant 0 : i32
    %dma_start3A_75 = arith.constant 0 : i32
    %dma_start3A_76 = tpu.memref_slice %arg8[%dma_start3A, %dma_start3A_74, %dma_start3A_75] : memref<2x64x128xf32, #tpu.memory_space<vmem>> -> memref<1x64x128xf32, #tpu.memory_space<vmem>>
    %dma_start3A_77 = tpu.memref_squeeze %dma_start3A_76 : memref<1x64x128xf32, #tpu.memory_space<vmem>> -> memref<64x128xf32, #tpu.memory_space<vmem>>
    %dma_start3A_78 = arith.constant 0 : i32
    %dma_start3A_79 = tpu.memref_slice %arg6[%dma_start3A_78] : memref<10000xi32, #tpu.memory_space<vmem>> -> memref<64xi32, #tpu.memory_space<vmem>>
    %dma_start3A_80 = arith.constant 0 : i32
    %dma_start3A_81 = arith.constant 0 : i32
    %dma_start3A_82 = tpu.memref_slice %arg2[%dma_start3A_80, %dma_start3A_81] : memref<10000x128xf32, #tpu.memory_space<hbm>> -> memref<10000x128xf32, #tpu.memory_space<hbm>>
    tpu.enqueue_indirect_dma source(%dma_start3A_82 : memref<10000x128xf32, #tpu.memory_space<hbm>>) target(%dma_start3A_77 : memref<64x128xf32, #tpu.memory_space<vmem>>) offsets(%dma_start3A_79 : memref<64xi32, #tpu.memory_space<vmem>>) semaphore(%arg12 : memref<!tpu.dma_semaphore, #tpu.memory_space<semaphore_mem>>)
    %scan3A_83 = arith.constant 0 : i32
    %scan3A_84 = arith.constant 0 : i32
    %scan3A_85 = arith.constant 156 : i32
    %scan3A_86 = arith.addi %scan3A_84, %scan3A_85 : i32
    %scan3A_87 = arith.constant 1 : i32
    %scan3A_88 = scf.for %scan3A_119 = %scan3A_84 to %scan3A_86 step %scan3A_87 iter_args(%scan3A_120 = %scan3A_83) -> (i32)  : i32 {
      %rem3A = arith.constant 2 : i32
      %rem3A_121 = arith.remsi %scan3A_119, %rem3A : i32
      %mul3A_122 = arith.constant 64 : i32
      %mul3A_123 = arith.muli %scan3A_119, %mul3A_122 : i32
      %dma_wait3A_124 = arith.constant 0 : i32
      %dma_wait3A_125 = arith.constant 0 : i32
      %dma_wait3A_126 = tpu.memref_slice %arg8[%rem3A_121, %dma_wait3A_124, %dma_wait3A_125] : memref<2x64x128xf32, #tpu.memory_space<vmem>> -> memref<1x64x128xf32, #tpu.memory_space<vmem>>
      %dma_wait3A_127 = tpu.memref_squeeze %dma_wait3A_126 : memref<1x64x128xf32, #tpu.memory_space<vmem>> -> memref<64x128xf32, #tpu.memory_space<vmem>>
      %dma_wait3A_128 = tpu.memref_slice %arg6[%mul3A_123] : memref<10000xi32, #tpu.memory_space<vmem>> -> memref<64xi32, #tpu.memory_space<vmem>>
      %dma_wait3A_129 = arith.constant 0 : i32
      %dma_wait3A_130 = arith.constant 0 : i32
      %dma_wait3A_131 = tpu.memref_slice %arg2[%dma_wait3A_129, %dma_wait3A_130] : memref<10000x128xf32, #tpu.memory_space<hbm>> -> memref<10000x128xf32, #tpu.memory_space<hbm>>
      tpu.wait_indirect_dma semaphore(%arg12 : memref<!tpu.dma_semaphore, #tpu.memory_space<semaphore_mem>>) src(%dma_wait3A_131 : memref<10000x128xf32, #tpu.memory_space<hbm>>) dst(%dma_wait3A_127 : memref<64x128xf32, #tpu.memory_space<vmem>>)
      %add3A_132 = arith.constant 1 : i32
      %add3A_133 = arith.addi %scan3A_119, %add3A_132 : i32
      %lt3A = arith.constant 156 : i32
      %lt3A_134 = arith.cmpi slt, %add3A_133, %lt3A : i32
      %convert_element_type3A = arith.extui %lt3A_134 : i1 to i32
      %cond3A = arith.constant 0 : i32
      %cond3A_135 = arith.cmpi ne, %convert_element_type3A, %cond3A : i32
      scf.if %cond3A_135 {
        %add3A_141 = arith.constant 1 : i32
        %add3A_142 = arith.addi %scan3A_119, %add3A_141 : i32
        %mul3A_143 = arith.constant 64 : i32
        %mul3A_144 = arith.muli %add3A_142, %mul3A_143 : i32
        %sub3A = arith.constant 1 : i32
        %sub3A_145 = arith.subi %sub3A, %rem3A_121 : i32
        %dma_start3A_146 = arith.constant 0 : i32
        %dma_start3A_147 = arith.constant 0 : i32
        %dma_start3A_148 = tpu.memref_slice %arg8[%sub3A_145, %dma_start3A_146, %dma_start3A_147] : memref<2x64x128xf32, #tpu.memory_space<vmem>> -> memref<1x64x128xf32, #tpu.memory_space<vmem>>
        %dma_start3A_149 = tpu.memref_squeeze %dma_start3A_148 : memref<1x64x128xf32, #tpu.memory_space<vmem>> -> memref<64x128xf32, #tpu.memory_space<vmem>>
        %dma_start3A_150 = tpu.memref_slice %arg6[%mul3A_144] : memref<10000xi32, #tpu.memory_space<vmem>> -> memref<64xi32, #tpu.memory_space<vmem>>
        %dma_start3A_151 = arith.constant 0 : i32
        %dma_start3A_152 = arith.constant 0 : i32
        %dma_start3A_153 = tpu.memref_slice %arg2[%dma_start3A_151, %dma_start3A_152] : memref<10000x128xf32, #tpu.memory_space<hbm>> -> memref<10000x128xf32, #tpu.memory_space<hbm>>
        tpu.enqueue_indirect_dma source(%dma_start3A_153 : memref<10000x128xf32, #tpu.memory_space<hbm>>) target(%dma_start3A_149 : memref<64x128xf32, #tpu.memory_space<vmem>>) offsets(%dma_start3A_150 : memref<64xi32, #tpu.memory_space<vmem>>) semaphore(%arg12 : memref<!tpu.dma_semaphore, #tpu.memory_space<semaphore_mem>>)
      } else {
      }
      %mul3A_136 = arith.constant 64 : i32
      %mul3A_137 = arith.muli %scan3A_119, %mul3A_136 : i32
      "tpu.region"() ({
        %run_scoped3A_141 = tpu.sem_alloc : memref<!tpu.dma_semaphore, #tpu.memory_space<semaphore_mem>>
        %dma_start3A_142 = arith.constant 0 : i32
        %dma_start3A_143 = arith.constant 0 : i32
        %dma_start3A_144 = tpu.memref_slice %arg8[%rem3A_121, %dma_start3A_142, %dma_start3A_143] : memref<2x64x128xf32, #tpu.memory_space<vmem>> -> memref<1x64x128xf32, #tpu.memory_space<vmem>>
        %dma_start3A_145 = tpu.memref_squeeze %dma_start3A_144 : memref<1x64x128xf32, #tpu.memory_space<vmem>> -> memref<64x128xf32, #tpu.memory_space<vmem>>
        %dma_start3A_146 = tpu.memref_slice %arg7[%mul3A_137] : memref<10000xi32, #tpu.memory_space<vmem>> -> memref<64xi32, #tpu.memory_space<vmem>>
        %dma_start3A_147 = arith.constant 0 : i32
        %dma_start3A_148 = arith.constant 0 : i32
        %dma_start3A_149 = tpu.memref_slice %arg10[%dma_start3A_147, %dma_start3A_148] : memref<10112x128xf32, #tpu.memory_space<vmem_shared>> -> memref<10112x128xf32, #tpu.memory_space<vmem_shared>>
        tpu.enqueue_indirect_dma source(%dma_start3A_145 : memref<64x128xf32, #tpu.memory_space<vmem>>) target(%dma_start3A_149 : memref<10112x128xf32, #tpu.memory_space<vmem_shared>>) offsets(%dma_start3A_146 : memref<64xi32, #tpu.memory_space<vmem>>) semaphore(%run_scoped3A_141 : memref<!tpu.dma_semaphore, #tpu.memory_space<semaphore_mem>>) {add = true}
        %dma_wait3A_150 = arith.constant 0 : i32
        %dma_wait3A_151 = arith.constant 0 : i32
        %dma_wait3A_152 = tpu.memref_slice %arg8[%rem3A_121, %dma_wait3A_150, %dma_wait3A_151] : memref<2x64x128xf32, #tpu.memory_space<vmem>> -> memref<1x64x128xf32, #tpu.memory_space<vmem>>
        %dma_wait3A_153 = tpu.memref_squeeze %dma_wait3A_152 : memref<1x64x128xf32, #tpu.memory_space<vmem>> -> memref<64x128xf32, #tpu.memory_space<vmem>>
        %dma_wait3A_154 = tpu.memref_slice %arg7[%mul3A_137] : memref<10000xi32, #tpu.memory_space<vmem>> -> memref<64xi32, #tpu.memory_space<vmem>>
        %dma_wait3A_155 = arith.constant 0 : i32
        %dma_wait3A_156 = arith.constant 0 : i32
        %dma_wait3A_157 = tpu.memref_slice %arg10[%dma_wait3A_155, %dma_wait3A_156] : memref<10112x128xf32, #tpu.memory_space<vmem_shared>> -> memref<10112x128xf32, #tpu.memory_space<vmem_shared>>
        tpu.wait_indirect_dma semaphore(%run_scoped3A_141 : memref<!tpu.dma_semaphore, #tpu.memory_space<semaphore_mem>>) src(%dma_wait3A_153 : memref<64x128xf32, #tpu.memory_space<vmem>>) dst(%dma_wait3A_157 : memref<10112x128xf32, #tpu.memory_space<vmem_shared>>)
        tpu.yield
      }) : () -> ()
      %mul3A_138 = arith.constant 64 : i32
      %mul3A_139 = arith.muli %scan3A_119, %mul3A_138 : i32
      "tpu.region"() ({
        %run_scoped3A_141 = tpu.sem_alloc : memref<!tpu.dma_semaphore, #tpu.memory_space<semaphore_mem>>
        %dma_start3A_142 = tpu.memref_slice %arg7[%mul3A_139] : memref<10000xi32, #tpu.memory_space<vmem>> -> memref<64xi32, #tpu.memory_space<vmem>>
        %dma_start3A_143 = arith.constant 0 : i32
        %dma_start3A_144 = arith.constant 0 : i32
        %dma_start3A_145 = tpu.memref_slice %arg11[%dma_start3A_143, %dma_start3A_144] : memref<10112x16xf32, #tpu.memory_space<vmem_shared>> -> memref<10112x16xf32, #tpu.memory_space<vmem_shared>>
        tpu.enqueue_indirect_dma source(%arg9 : memref<64x16xf32, #tpu.memory_space<vmem>>) target(%dma_start3A_145 : memref<10112x16xf32, #tpu.memory_space<vmem_shared>>) offsets(%dma_start3A_142 : memref<64xi32, #tpu.memory_space<vmem>>) semaphore(%run_scoped3A_141 : memref<!tpu.dma_semaphore, #tpu.memory_space<semaphore_mem>>) {add = true}
        %dma_wait3A_146 = tpu.memref_slice %arg7[%mul3A_139] : memref<10000xi32, #tpu.memory_space<vmem>> -> memref<64xi32, #tpu.memory_space<vmem>>
        %dma_wait3A_147 = arith.constant 0 : i32
        %dma_wait3A_148 = arith.constant 0 : i32
        %dma_wait3A_149 = tpu.memref_slice %arg11[%dma_wait3A_147, %dma_wait3A_148] : memref<10112x16xf32, #tpu.memory_space<vmem_shared>> -> memref<10112x16xf32, #tpu.memory_space<vmem_shared>>
        tpu.wait_indirect_dma semaphore(%run_scoped3A_141 : memref<!tpu.dma_semaphore, #tpu.memory_space<semaphore_mem>>) src(%arg9 : memref<64x16xf32, #tpu.memory_space<vmem>>) dst(%dma_wait3A_149 : memref<10112x16xf32, #tpu.memory_space<vmem_shared>>)
        tpu.yield
      }) : () -> ()
      %scan3A_140 = arith.constant 0 : i32
      scf.yield %scan3A_140 : i32
    }
    %scan3A_89 = arith.constant 156 : i32
    %dma_start3A_90 = arith.constant 0 : i32
    %dma_start3A_91 = arith.constant 0 : i32
    %dma_start3A_92 = arith.constant 0 : i32
    %dma_start3A_93 = tpu.memref_slice %arg8[%dma_start3A_90, %dma_start3A_91, %dma_start3A_92] : memref<2x64x128xf32, #tpu.memory_space<vmem>> -> memref<1x16x128xf32, #tpu.memory_space<vmem>>
    %dma_start3A_94 = tpu.memref_squeeze %dma_start3A_93 : memref<1x16x128xf32, #tpu.memory_space<vmem>> -> memref<16x128xf32, #tpu.memory_space<vmem>>
    %dma_start3A_95 = arith.constant 9984 : i32
    %dma_start3A_96 = tpu.memref_slice %arg6[%dma_start3A_95] : memref<10000xi32, #tpu.memory_space<vmem>> -> memref<16xi32, #tpu.memory_space<vmem>>
    %dma_start3A_97 = arith.constant 0 : i32
    %dma_start3A_98 = arith.constant 0 : i32
    %dma_start3A_99 = tpu.memref_slice %arg2[%dma_start3A_97, %dma_start3A_98] : memref<10000x128xf32, #tpu.memory_space<hbm>> -> memref<10000x128xf32, #tpu.memory_space<hbm>>
    tpu.enqueue_indirect_dma source(%dma_start3A_99 : memref<10000x128xf32, #tpu.memory_space<hbm>>) target(%dma_start3A_94 : memref<16x128xf32, #tpu.memory_space<vmem>>) offsets(%dma_start3A_96 : memref<16xi32, #tpu.memory_space<vmem>>) semaphore(%arg12 : memref<!tpu.dma_semaphore, #tpu.memory_space<semaphore_mem>>)
    %dma_wait3A = arith.constant 0 : i32
    %dma_wait3A_100 = arith.constant 0 : i32
    %dma_wait3A_101 = arith.constant 0 : i32
    %dma_wait3A_102 = tpu.memref_slice %arg8[%dma_wait3A, %dma_wait3A_100, %dma_wait3A_101] : memref<2x64x128xf32, #tpu.memory_space<vmem>> -> memref<1x16x128xf32, #tpu.memory_space<vmem>>
    %dma_wait3A_103 = tpu.memref_squeeze %dma_wait3A_102 : memref<1x16x128xf32, #tpu.memory_space<vmem>> -> memref<16x128xf32, #tpu.memory_space<vmem>>
    %dma_wait3A_104 = arith.constant 9984 : i32
    %dma_wait3A_105 = tpu.memref_slice %arg6[%dma_wait3A_104] : memref<10000xi32, #tpu.memory_space<vmem>> -> memref<16xi32, #tpu.memory_space<vmem>>
    %dma_wait3A_106 = arith.constant 0 : i32
    %dma_wait3A_107 = arith.constant 0 : i32
    %dma_wait3A_108 = tpu.memref_slice %arg2[%dma_wait3A_106, %dma_wait3A_107] : memref<10000x128xf32, #tpu.memory_space<hbm>> -> memref<10000x128xf32, #tpu.memory_space<hbm>>
    tpu.wait_indirect_dma semaphore(%arg12 : memref<!tpu.dma_semaphore, #tpu.memory_space<semaphore_mem>>) src(%dma_wait3A_108 : memref<10000x128xf32, #tpu.memory_space<hbm>>) dst(%dma_wait3A_103 : memref<16x128xf32, #tpu.memory_space<vmem>>)
    %run_scoped3A_109 = arith.constant 0 : i32
    "tpu.region"() ({
      %run_scoped3A_119 = tpu.sem_alloc : memref<!tpu.dma_semaphore, #tpu.memory_space<semaphore_mem>>
      %dma_start3A_120 = arith.constant 0 : i32
      %dma_start3A_121 = arith.constant 0 : i32
      %dma_start3A_122 = tpu.memref_slice %arg8[%run_scoped3A_109, %dma_start3A_120, %dma_start3A_121] : memref<2x64x128xf32, #tpu.memory_space<vmem>> -> memref<1x16x128xf32, #tpu.memory_space<vmem>>
      %dma_start3A_123 = tpu.memref_squeeze %dma_start3A_122 : memref<1x16x128xf32, #tpu.memory_space<vmem>> -> memref<16x128xf32, #tpu.memory_space<vmem>>
      %dma_start3A_124 = arith.constant 9984 : i32
      %dma_start3A_125 = tpu.memref_slice %arg7[%dma_start3A_124] : memref<10000xi32, #tpu.memory_space<vmem>> -> memref<16xi32, #tpu.memory_space<vmem>>
      %dma_start3A_126 = arith.constant 0 : i32
      %dma_start3A_127 = arith.constant 0 : i32
      %dma_start3A_128 = tpu.memref_slice %arg10[%dma_start3A_126, %dma_start3A_127] : memref<10112x128xf32, #tpu.memory_space<vmem_shared>> -> memref<10112x128xf32, #tpu.memory_space<vmem_shared>>
      tpu.enqueue_indirect_dma source(%dma_start3A_123 : memref<16x128xf32, #tpu.memory_space<vmem>>) target(%dma_start3A_128 : memref<10112x128xf32, #tpu.memory_space<vmem_shared>>) offsets(%dma_start3A_125 : memref<16xi32, #tpu.memory_space<vmem>>) semaphore(%run_scoped3A_119 : memref<!tpu.dma_semaphore, #tpu.memory_space<semaphore_mem>>) {add = true}
      %dma_wait3A_129 = arith.constant 0 : i32
      %dma_wait3A_130 = arith.constant 0 : i32
      %dma_wait3A_131 = tpu.memref_slice %arg8[%run_scoped3A_109, %dma_wait3A_129, %dma_wait3A_130] : memref<2x64x128xf32, #tpu.memory_space<vmem>> -> memref<1x16x128xf32, #tpu.memory_space<vmem>>
      %dma_wait3A_132 = tpu.memref_squeeze %dma_wait3A_131 : memref<1x16x128xf32, #tpu.memory_space<vmem>> -> memref<16x128xf32, #tpu.memory_space<vmem>>
      %dma_wait3A_133 = arith.constant 9984 : i32
      %dma_wait3A_134 = tpu.memref_slice %arg7[%dma_wait3A_133] : memref<10000xi32, #tpu.memory_space<vmem>> -> memref<16xi32, #tpu.memory_space<vmem>>
      %dma_wait3A_135 = arith.constant 0 : i32
      %dma_wait3A_136 = arith.constant 0 : i32
      %dma_wait3A_137 = tpu.memref_slice %arg10[%dma_wait3A_135, %dma_wait3A_136] : memref<10112x128xf32, #tpu.memory_space<vmem_shared>> -> memref<10112x128xf32, #tpu.memory_space<vmem_shared>>
      tpu.wait_indirect_dma semaphore(%run_scoped3A_119 : memref<!tpu.dma_semaphore, #tpu.memory_space<semaphore_mem>>) src(%dma_wait3A_132 : memref<16x128xf32, #tpu.memory_space<vmem>>) dst(%dma_wait3A_137 : memref<10112x128xf32, #tpu.memory_space<vmem_shared>>)
      tpu.yield
    }) : () -> ()
    "tpu.region"() ({
      %run_scoped3A_119 = tpu.sem_alloc : memref<!tpu.dma_semaphore, #tpu.memory_space<semaphore_mem>>
      %dma_start3A_120 = arith.constant 0 : i32
      %dma_start3A_121 = arith.constant 0 : i32
      %dma_start3A_122 = tpu.memref_slice %arg9[%dma_start3A_120, %dma_start3A_121] : memref<64x16xf32, #tpu.memory_space<vmem>> -> memref<16x16xf32, #tpu.memory_space<vmem>>
      %dma_start3A_123 = arith.constant 9984 : i32
      %dma_start3A_124 = tpu.memref_slice %arg7[%dma_start3A_123] : memref<10000xi32, #tpu.memory_space<vmem>> -> memref<16xi32, #tpu.memory_space<vmem>>
      %dma_start3A_125 = arith.constant 0 : i32
      %dma_start3A_126 = arith.constant 0 : i32
      %dma_start3A_127 = tpu.memref_slice %arg11[%dma_start3A_125, %dma_start3A_126] : memref<10112x16xf32, #tpu.memory_space<vmem_shared>> -> memref<10112x16xf32, #tpu.memory_space<vmem_shared>>
      tpu.enqueue_indirect_dma source(%dma_start3A_122 : memref<16x16xf32, #tpu.memory_space<vmem>>) target(%dma_start3A_127 : memref<10112x16xf32, #tpu.memory_space<vmem_shared>>) offsets(%dma_start3A_124 : memref<16xi32, #tpu.memory_space<vmem>>) semaphore(%run_scoped3A_119 : memref<!tpu.dma_semaphore, #tpu.memory_space<semaphore_mem>>) {add = true}
      %dma_wait3A_128 = arith.constant 0 : i32
      %dma_wait3A_129 = arith.constant 0 : i32
      %dma_wait3A_130 = tpu.memref_slice %arg9[%dma_wait3A_128, %dma_wait3A_129] : memref<64x16xf32, #tpu.memory_space<vmem>> -> memref<16x16xf32, #tpu.memory_space<vmem>>
      %dma_wait3A_131 = arith.constant 9984 : i32
      %dma_wait3A_132 = tpu.memref_slice %arg7[%dma_wait3A_131] : memref<10000xi32, #tpu.memory_space<vmem>> -> memref<16xi32, #tpu.memory_space<vmem>>
      %dma_wait3A_133 = arith.constant 0 : i32
      %dma_wait3A_134 = arith.constant 0 : i32
      %dma_wait3A_135 = tpu.memref_slice %arg11[%dma_wait3A_133, %dma_wait3A_134] : memref<10112x16xf32, #tpu.memory_space<vmem_shared>> -> memref<10112x16xf32, #tpu.memory_space<vmem_shared>>
      tpu.wait_indirect_dma semaphore(%run_scoped3A_119 : memref<!tpu.dma_semaphore, #tpu.memory_space<semaphore_mem>>) src(%dma_wait3A_130 : memref<16x16xf32, #tpu.memory_space<vmem>>) dst(%dma_wait3A_135 : memref<10112x16xf32, #tpu.memory_space<vmem_shared>>)
      tpu.yield
    }) : () -> ()
    %barrier3A_110 = arith.constant 0 : index
    tpu.barrier barrier_id(%barrier3A_110)
    %mul3A_111 = arith.constant 632 : i32
    %mul3A_112 = arith.muli %arg1, %mul3A_111 : i32
    %mul3A_113 = arith.constant 632 : i32
    %mul3A_114 = arith.muli %arg1, %mul3A_113 : i32
    "tpu.region"() ({
      %run_scoped3A_119 = tpu.sem_alloc : memref<!tpu.dma_semaphore, #tpu.memory_space<semaphore_mem>>
      %dma_start3A_120 = arith.constant 0 : i32
      %dma_start3A_121 = tpu.memref_slice %arg4[%arg0, %mul3A_114, %dma_start3A_120] : memref<2x10112x128xf32, #tpu.memory_space<hbm>> -> memref<1x632x128xf32, #tpu.memory_space<hbm>>
      %dma_start3A_122 = tpu.memref_squeeze %dma_start3A_121 : memref<1x632x128xf32, #tpu.memory_space<hbm>> -> memref<632x128xf32, #tpu.memory_space<hbm>>
      %dma_start3A_123 = arith.constant 0 : i32
      %dma_start3A_124 = tpu.memref_slice %arg10[%mul3A_112, %dma_start3A_123] : memref<10112x128xf32, #tpu.memory_space<vmem_shared>> -> memref<632x128xf32, #tpu.memory_space<vmem_shared>>
      tpu.enqueue_dma source(%dma_start3A_124 : memref<632x128xf32, #tpu.memory_space<vmem_shared>>) target(%dma_start3A_122 : memref<632x128xf32, #tpu.memory_space<hbm>>) target_semaphore(%run_scoped3A_119 : memref<!tpu.dma_semaphore, #tpu.memory_space<semaphore_mem>>)
      %dma_wait3A_125 = arith.constant 0 : i32
      %dma_wait3A_126 = tpu.memref_slice %arg4[%arg0, %mul3A_114, %dma_wait3A_125] : memref<2x10112x128xf32, #tpu.memory_space<hbm>> -> memref<1x632x128xf32, #tpu.memory_space<hbm>>
      %dma_wait3A_127 = tpu.memref_squeeze %dma_wait3A_126 : memref<1x632x128xf32, #tpu.memory_space<hbm>> -> memref<632x128xf32, #tpu.memory_space<hbm>>
      %dma_wait3A_128 = arith.constant 0 : i32
      %dma_wait3A_129 = tpu.memref_slice %arg10[%mul3A_112, %dma_wait3A_128] : memref<10112x128xf32, #tpu.memory_space<vmem_shared>> -> memref<632x128xf32, #tpu.memory_space<vmem_shared>>
      tpu.wait_dma2 semaphore(%run_scoped3A_119 : memref<!tpu.dma_semaphore, #tpu.memory_space<semaphore_mem>>) src(%dma_wait3A_129 : memref<632x128xf32, #tpu.memory_space<vmem_shared>>) dst(%dma_wait3A_127 : memref<632x128xf32, #tpu.memory_space<hbm>>)
      tpu.yield
    }) : () -> ()
    %mul3A_115 = arith.constant 632 : i32
    %mul3A_116 = arith.muli %arg1, %mul3A_115 : i32
    %mul3A_117 = arith.constant 632 : i32
    %mul3A_118 = arith.muli %arg1, %mul3A_117 : i32
    "tpu.region"() ({
      %run_scoped3A_119 = tpu.sem_alloc : memref<!tpu.dma_semaphore, #tpu.memory_space<semaphore_mem>>
      %dma_start3A_120 = arith.constant 0 : i32
      %dma_start3A_121 = tpu.memref_slice %arg5[%arg0, %mul3A_118, %dma_start3A_120] : memref<2x10112x16xf32, #tpu.memory_space<hbm>> -> memref<1x632x16xf32, #tpu.memory_space<hbm>>
      %dma_start3A_122 = tpu.memref_squeeze %dma_start3A_121 : memref<1x632x16xf32, #tpu.memory_space<hbm>> -> memref<632x16xf32, #tpu.memory_space<hbm>>
      %dma_start3A_123 = arith.constant 0 : i32
      %dma_start3A_124 = tpu.memref_slice %arg11[%mul3A_116, %dma_start3A_123] : memref<10112x16xf32, #tpu.memory_space<vmem_shared>> -> memref<632x16xf32, #tpu.memory_space<vmem_shared>>
      tpu.enqueue_dma source(%dma_start3A_124 : memref<632x16xf32, #tpu.memory_space<vmem_shared>>) target(%dma_start3A_122 : memref<632x16xf32, #tpu.memory_space<hbm>>) target_semaphore(%run_scoped3A_119 : memref<!tpu.dma_semaphore, #tpu.memory_space<semaphore_mem>>)
      %dma_wait3A_125 = arith.constant 0 : i32
      %dma_wait3A_126 = tpu.memref_slice %arg5[%arg0, %mul3A_118, %dma_wait3A_125] : memref<2x10112x16xf32, #tpu.memory_space<hbm>> -> memref<1x632x16xf32, #tpu.memory_space<hbm>>
      %dma_wait3A_127 = tpu.memref_squeeze %dma_wait3A_126 : memref<1x632x16xf32, #tpu.memory_space<hbm>> -> memref<632x16xf32, #tpu.memory_space<hbm>>
      %dma_wait3A_128 = arith.constant 0 : i32
      %dma_wait3A_129 = tpu.memref_slice %arg11[%mul3A_116, %dma_wait3A_128] : memref<10112x16xf32, #tpu.memory_space<vmem_shared>> -> memref<632x16xf32, #tpu.memory_space<vmem_shared>>
      tpu.wait_dma2 semaphore(%run_scoped3A_119 : memref<!tpu.dma_semaphore, #tpu.memory_space<semaphore_mem>>) src(%dma_wait3A_129 : memref<632x16xf32, #tpu.memory_space<vmem_shared>>) dst(%dma_wait3A_127 : memref<632x16xf32, #tpu.memory_space<hbm>>)
      tpu.yield
    }) : () -> ()
    return
  }
}

module attributes {stable_mosaic.version = 14 : i64} {
  func.func @_combine_body(%arg0: i32, %arg1: memref<2x1000x128xf32, #tpu.memory_space<vmem>>, %arg2: memref<2x1000x16xf32, #tpu.memory_space<vmem>>, %arg3: memref<1000x128xf32, #tpu.memory_space<vmem>>, %arg4: memref<128x128xf32, #tpu.memory_space<vmem>>, %arg5: memref<1x128xf32, #tpu.memory_space<vmem>>, %arg6: memref<1x1xf32, #tpu.memory_space<vmem>>, %arg7: memref<1000x128xf32, #tpu.memory_space<vmem>>) attributes {dimension_semantics = [#tpu.dimension_semantics<arbitrary>], iteration_bounds = array<i64: 10>, scalar_prefetch = 0 : i64, scratch_operands = 0 : i64, tpu.core_type = #tpu.core_type<tc>, window_params = [{transform_indices = @transform_0, window_bounds = array<i64: 2, 1000, 128>}, {transform_indices = @transform_1, window_bounds = array<i64: 2, 1000, 16>}, {transform_indices = @transform_2, window_bounds = array<i64: 1000, 128>}, {pipeline_mode = #tpu.pipeline_mode<synchronous>, transform_indices = @transform_3, window_bounds = array<i64: 128, 128>}, {pipeline_mode = #tpu.pipeline_mode<synchronous>, transform_indices = @transform_4, window_bounds = array<i64: 1, 128>}, {pipeline_mode = #tpu.pipeline_mode<synchronous>, transform_indices = @transform_5, window_bounds = array<i64: 1, 1>}, {transform_indices = @transform_6, window_bounds = array<i64: 1000, 128>}]} {
    %get3A = arith.constant 0 : index
    %get3A_0 = arith.constant 0 : index
    %get3A_1 = arith.constant 0 : index
    %get3A_2 = vector.load %arg1[%get3A, %get3A_0, %get3A_1] : memref<2x1000x128xf32, #tpu.memory_space<vmem>>, vector<2x1000x128xf32>
    %get3A_3 = arith.constant 0 : index
    %get3A_4 = arith.constant 0 : index
    %get3A_5 = arith.constant 0 : index
    %get3A_6 = vector.load %arg2[%get3A_3, %get3A_4, %get3A_5] : memref<2x1000x16xf32, #tpu.memory_space<vmem>>, vector<2x1000x16xf32>
    %slice3A = vector.extract_strided_slice %get3A_2 {offsets = [0, 0, 0], sizes = [1, 1000, 128], strides = [1, 1, 1]} : vector<2x1000x128xf32> to vector<1x1000x128xf32>
    %squeeze3A = vector.shape_cast %slice3A : vector<1x1000x128xf32> to vector<1000x128xf32>
    %slice3A_7 = vector.extract_strided_slice %get3A_2 {offsets = [1, 0, 0], sizes = [1, 1000, 128], strides = [1, 1, 1]} : vector<2x1000x128xf32> to vector<1x1000x128xf32>
    %squeeze3A_8 = vector.shape_cast %slice3A_7 : vector<1x1000x128xf32> to vector<1000x128xf32>
    %add3A = arith.addf %squeeze3A, %squeeze3A_8 : vector<1000x128xf32>
    %get3A_9 = arith.constant 0 : index
    %get3A_10 = arith.constant 0 : index
    %get3A_11 = vector.load %arg3[%get3A_9, %get3A_10] : memref<1000x128xf32, #tpu.memory_space<vmem>>, vector<1000x128xf32>
    %add3A_12 = arith.addf %add3A, %get3A_11 : vector<1000x128xf32>
    %slice3A_13 = vector.extract_strided_slice %get3A_6 {offsets = [0, 0, 0], sizes = [1, 1000, 1], strides = [1, 1, 1]} : vector<2x1000x16xf32> to vector<1x1000x1xf32>
    %squeeze3A_14 = vector.shape_cast %slice3A_13 : vector<1x1000x1xf32> to vector<1000x1xf32>
    %slice3A_15 = vector.extract_strided_slice %get3A_6 {offsets = [1, 0, 0], sizes = [1, 1000, 1], strides = [1, 1, 1]} : vector<2x1000x16xf32> to vector<1x1000x1xf32>
    %squeeze3A_16 = vector.shape_cast %slice3A_15 : vector<1x1000x1xf32> to vector<1000x1xf32>
    %add3A_17 = arith.addf %squeeze3A_14, %squeeze3A_16 : vector<1000x1xf32>
    %add3A_18 = arith.constant 1.000000e+00 : f32
    %add3A_19 = vector.broadcast %add3A_18 : f32 to vector<1000x1xf32>
    %add3A_20 = arith.addf %add3A_17, %add3A_19 : vector<1000x1xf32>
    %div3A = vector.broadcast %add3A_20 : vector<1000x1xf32> to vector<1000x128xf32>
    %div3A_21 = arith.divf %add3A_12, %div3A : vector<1000x128xf32>
    %get3A_22 = arith.constant 0 : index
    %get3A_23 = arith.constant 0 : index
    %get3A_24 = vector.load %arg4[%get3A_22, %get3A_23] : memref<128x128xf32, #tpu.memory_space<vmem>>, vector<128x128xf32>
    %dot_general3A = arith.constant dense<0.000000e+00> : vector<1000x128xf32>
    %dot_general3A_25 = tpu.matmul %div3A_21, %get3A_24, %dot_general3A {dimension_numbers = #tpu.dot_dimension_numbers<[1], [0], [0], [1], [0, 0, 1, 1], [], []>, transpose_lhs_hint = false} : vector<1000x128xf32>, vector<128x128xf32>, vector<1000x128xf32> -> vector<1000x128xf32>
    %get3A_26 = arith.constant 0 : index
    %get3A_27 = arith.constant 0 : index
    %get3A_28 = vector.load %arg5[%get3A_26, %get3A_27] : memref<1x128xf32, #tpu.memory_space<vmem>>, vector<1x128xf32>
    %add3A_29 = vector.broadcast %get3A_28 : vector<1x128xf32> to vector<1000x128xf32>
    %add3A_30 = arith.addf %dot_general3A_25, %add3A_29 : vector<1000x128xf32>
    %get3A_31 = arith.constant 0 : index
    %get3A_32 = arith.constant 0 : index
    %get3A_33 = vector.load %arg6[%get3A_31, %get3A_32] : memref<1x1xf32, #tpu.memory_space<vmem>>, vector<1x1xf32>
    %get3A_34 = vector.extract %get3A_33[0, 0] : f32 from vector<1x1xf32>
    %gt3A = arith.constant 0.000000e+00 : f32
    %gt3A_35 = vector.broadcast %gt3A : f32 to vector<1000x128xf32>
    %gt3A_36 = arith.cmpf ogt, %add3A_30, %gt3A_35 : vector<1000x128xf32>
    %mul3A = vector.broadcast %get3A_34 : f32 to vector<1000x128xf32>
    %mul3A_37 = arith.mulf %mul3A, %add3A_30 : vector<1000x128xf32>
    %select_n3A = arith.select %gt3A_36, %add3A_30, %mul3A_37 : vector<1000x128xi1>, vector<1000x128xf32>
    %swap3A = arith.constant 0 : index
    %swap3A_38 = arith.constant 0 : index
    %swap3A_39 = vector.load %arg7[%swap3A, %swap3A_38] : memref<1000x128xf32, #tpu.memory_space<vmem>>, vector<1000x128xf32>
    tpu.vector_store %arg7[%swap3A, %swap3A_38], %select_n3A {strides = array<i32>} : memref<1000x128xf32, #tpu.memory_space<vmem>>, vector<1000x128xf32>,
    return
  }
  func.func @transform_0(%arg0: i32) -> (i32, i32, i32) {
    %c0_i32 = arith.constant 0 : i32
    %c0_i32_0 = arith.constant 0 : i32
    %c0_i32_1 = arith.constant 0 : i32
    return %c0_i32, %arg0, %c0_i32_0 : i32, i32, i32
  }
  func.func @transform_1(%arg0: i32) -> (i32, i32, i32) {
    %c0_i32 = arith.constant 0 : i32
    %c0_i32_0 = arith.constant 0 : i32
    %c0_i32_1 = arith.constant 0 : i32
    return %c0_i32, %arg0, %c0_i32_0 : i32, i32, i32
  }
  func.func @transform_2(%arg0: i32) -> (i32, i32) {
    %c0_i32 = arith.constant 0 : i32
    %c0_i32_0 = arith.constant 0 : i32
    return %arg0, %c0_i32 : i32, i32
  }
  func.func @transform_3(%arg0: i32) -> (i32, i32) {
    %c0_i32 = arith.constant 0 : i32
    %c0_i32_0 = arith.constant 0 : i32
    %c0_i32_1 = arith.constant 0 : i32
    return %c0_i32, %c0_i32_0 : i32, i32
  }
  func.func @transform_4(%arg0: i32) -> (i32, i32) {
    %c0_i32 = arith.constant 0 : i32
    %c0_i32_0 = arith.constant 0 : i32
    %c0_i32_1 = arith.constant 0 : i32
    return %c0_i32, %c0_i32_0 : i32, i32
  }
  func.func @transform_5(%arg0: i32) -> (i32, i32) {
    %c0_i32 = arith.constant 0 : i32
    %c0_i32_0 = arith.constant 0 : i32
    %c0_i32_1 = arith.constant 0 : i32
    return %c0_i32, %c0_i32_0 : i32, i32
  }
  func.func @transform_6(%arg0: i32) -> (i32, i32) {
    %c0_i32 = arith.constant 0 : i32
    %c0_i32_0 = arith.constant 0 : i32
    return %arg0, %c0_i32 : i32, i32
  }
}

</mosaic_0001>

<sc_bundles>
// kernel: kernel.4.cloned.1.call-start
scs
__scs_entry_jumppad:
0x0: {  	(pc) =	sbr.rel $0x88, $3  }
0x1: {  	(tag) =	ssettag $0x0;
	lr =	simm.s32 $0x1  }
0x2: {  	[smem:$0x3F9B] =	sst lr;
	_ =	strace $0xD0000000  }
0x3: {  	_ = 	snop  }
0x4: {  	_ = 	snop  }
0x5: {  	_ = 	snop  }
0x6: {  	_ = 	snop  }
0x7: {  	_ = 	snop  }
__scs_overlays_trampoline_lowered:
0x8: {  	[smem:$0x3FAA] =	sst s0  }
0x9: {  	[smem:$0x3FAB] =	sst s1  }
0xa: {  	[smem:$0x3FAC] =	sst s2  }
0xb: {  	[smem:$0x3FAD] =	sst s3  }
0xc: {  	[smem:$0x3FAE] =	sst s4  }
0xd: {  	[smem:$0x3FAF] =	sst s5  }
0xe: {  	[smem:$0x3FB0] =	sst s6  }
0xf: {  	[smem:$0x3FB1] =	sst s7  }
0x10: {  	[smem:$0x3FB2] =	sst s8  }
0x11: {  	[smem:$0x3FB3] =	sst s9;
	s0 =	simm.s32 @!p0 $0x0  }
0x12: {  	s1 =	sld [smem:$0x3F99];
	s0 =	simm.s32 @p0 $0x1  }
0x13: {  	[smem:$0x3FB4] =	sst s0;
	s0 =	simm.s32 @!p1 $0x0  }
0x14: {  	s2 =	sld [smem:$0x3F98];
	s0 =	simm.s32 @p1 $0x1  }
0x15: {  	[smem:$0x3FB5] =	sst s0;
	s0 =	simm.s32 @!p2 $0x0  }
0x16: {  	s3 =	sld [smem:$0x3FDB];
	s0 =	simm.s32 @p2 $0x1  }
0x17: {  	s4 =	simm.s32 $0x1BF5;
	[smem:$0x3FB7] =	sst s0  }
0x18: {  	s0 =	sld [smem:$0x3F9A];
	_ =	swait.ge [sflag:s4], $0x0  }
0x19: {  	s7 =	sld [smem:$0x3F9B]  }
0x1a: {  	s8 =	sadd.s32 $0xFFFFE003, lr  }
0x1b: {  	s9 =	sadd.s32 $0xFFFFFEF7, lr;
	s5 =	simm.s32 $0xFFFFFFFF;
	p2 =	slt.u32 s8, $0xFFFFF086  }
0x1c: {  	p1 =	slt.u32 s9, $0xF7A;
	s5 =	simm.s32 @!p2 $0x0  }
0x1d: {  	s5 =	simm.s32 @p1 $0x1;
	p0 =	seq.s32 s7, s2  }
0x1e: {  	s7 =	smul.u32 @!p0 $0xF7A, s2;
	p2 =	seq.s32 @!p0 s5, $0x0  }
0x1f: {  	s9 =	smul.u32 $0xF7A, s1;
	s8 =	simm.s32 @!p0 $0x1BF5;
	p2 =	por !p2, p0  }
0x20: {  	[sflag:s8] =	ssyncset.s32 @!p0 $0xFFFFF086;
	s6 =	sadd.s32 @!p0 s3, s7;
	s7 =	simm.s32 @!p0 $0x108  }
0x21: {  	s3 =	sadd.s32 s3, s9;
	s6 =	sadd.s32 @!p0 $0x88, s6;
	s7 =	simm.s32 @p2 $0x1082  }
0x22: {  	[simem:s7], [sflag:s8] =	dma.local @!p0 [hbm:s6], $0xF7A  }
0x23: {  	s9 =	sor.u32 $0xD0000000, s2;
	s6 =	simm.s32 $0x108;
	_ =	swait.ge @!p0 [sflag:s8], $0x0  }
0x24: {  	s3 =	sadd.s32 $0x88, s3;
	s6 =	simm.s32 @!p1 $0x1082;
	[sflag:s4] =	ssyncset.s32 $0xFFFFF086  }
0x25: {  	[simem:s6], [sflag:s4] =	dma.local [hbm:s3], $0xF7A  }
0x26: {  	[smem:$0x3F9B] =	sst s1;
	(tag) =	ssettag s2;
	_ =	strace s9  }
0x27: {  	s1 =	sld [smem:$0x3FAB]  }
0x28: {  	s2 =	sld [smem:$0x3FAC]  }
0x29: {  	s4 =	sld [smem:$0x3FAE]  }
0x2a: {  	p0 =	seq.s32 s5, $0x0;
	s5 =	sld [smem:$0x3FAF]  }
0x2b: {  	s6 =	sld [smem:$0x3FB0]  }
0x2c: {  	s7 =	sld [smem:$0x3FB1]  }
0x2d: {  	s3 =	simm.s32 $0x108;
	s8 =	sld [smem:$0x3FB2]  }
0x2e: {  	s3 =	simm.s32 @!p0 $0x1082;
	s9 =	sld [smem:$0x3FB3]  }
0x2f: {  	lr =	sadd.s32 s0, s3;
	s0 =	sld [smem:$0x3FAA]  }
0x30: {  	s3 =	sld [smem:$0x3FAD]  }
0x31: {  	[smem:$0x3FB6] =	sst s10  }
0x32: {  	s10 =	sld [smem:$0x3FB4];
	_ =	sdelay $0x3  }
0x33: {  	p0 =	seq.s32 s10, $0x1;
	s10 =	sld [smem:$0x3FB6];
	_ =	sdelay $0x3  }
0x34: {  	[smem:$0x3FB6] =	sst s10  }
0x35: {  	s10 =	sld [smem:$0x3FB5];
	_ =	sdelay $0x3  }
0x36: {  	p1 =	seq.s32 s10, $0x1;
	s10 =	sld [smem:$0x3FB6];
	_ =	sdelay $0x3  }
0x37: {  	[smem:$0x3FB6] =	sst s10  }
0x38: {  	s10 =	sld [smem:$0x3FB7]  }
0x39: {  	_ = 	snop;
	(pc) =	sbr.ind lr, $3  }
0x3a: {  	_ = 	snop  }
0x3b: {  	_ = 	snop  }
0x3c: {  	p2 =	seq.s32 s10, $0x1;
	s10 =	sld [smem:$0x3FB6]  }
0x3d: {  	_ =	shalt  }
0x3e: {  	_ =	shalt  }
0x3f: {  	_ =	shalt  }
0x40: {  	_ =	shalt  }
0x41: {  	_ =	shalt  }
0x42: {  	_ =	shalt  }
0x43: {  	_ =	shalt  }
0x44: {  	_ =	shalt  }
0x45: {  	_ =	shalt  }
0x46: {  	_ =	shalt  }
0x47: {  	_ =	shalt  }
0x48: {  	_ =	shalt  }
0x49: {  	_ =	shalt  }
0x4a: {  	_ =	shalt  }
0x4b: {  	_ =	shalt  }
0x4c: {  	_ =	shalt  }
0x4d: {  	_ =	shalt  }
0x4e: {  	_ =	shalt  }
0x4f: {  	_ =	shalt  }
0x50: {  	_ =	shalt  }
0x51: {  	_ =	shalt  }
0x52: {  	_ =	shalt  }
0x53: {  	_ =	shalt  }
0x54: {  	_ =	shalt  }
0x55: {  	_ =	shalt  }
0x56: {  	_ =	shalt  }
0x57: {  	_ =	shalt  }
0x58: {  	_ =	shalt  }
0x59: {  	_ =	shalt  }
0x5a: {  	_ =	shalt  }
0x5b: {  	_ =	shalt  }
0x5c: {  	_ =	shalt  }
0x5d: {  	_ =	shalt  }
0x5e: {  	_ =	shalt  }
0x5f: {  	_ =	shalt  }
0x60: {  	_ =	shalt  }
0x61: {  	_ =	shalt  }
0x62: {  	_ =	shalt  }
0x63: {  	_ =	shalt  }
0x64: {  	_ =	shalt  }
0x65: {  	_ =	shalt  }
0x66: {  	_ =	shalt  }
0x67: {  	_ =	shalt  }
0x68: {  	_ =	shalt  }
0x69: {  	_ =	shalt  }
0x6a: {  	_ =	shalt  }
0x6b: {  	_ =	shalt  }
0x6c: {  	_ =	shalt  }
0x6d: {  	_ =	shalt  }
0x6e: {  	_ =	shalt  }
0x6f: {  	_ =	shalt  }
0x70: {  	_ =	shalt  }
0x71: {  	_ =	shalt  }
0x72: {  	_ =	shalt  }
0x73: {  	_ =	shalt  }
0x74: {  	_ =	shalt  }
0x75: {  	_ =	shalt  }
0x76: {  	_ =	shalt  }
0x77: {  	_ =	shalt  }
0x78: {  	_ =	shalt  }
0x79: {  	_ =	shalt  }
0x7a: {  	_ =	shalt  }
0x7b: {  	_ =	shalt  }
0x7c: {  	_ =	shalt  }
0x7d: {  	_ =	shalt  }
0x7e: {  	_ =	shalt  }
0x7f: {  	_ =	shalt  }
0x80: {  	_ =	shalt  }
0x81: {  	_ =	shalt  }
0x82: {  	_ =	shalt  }
0x83: {  	_ =	shalt  }
0x84: {  	_ =	shalt  }
0x85: {  	_ =	shalt  }
0x86: {  	_ =	shalt  }
0x87: {  	_ =	shalt  }
.Lfunc_end0:
.L_simem_size_0:
called_computation_lowered:
.L_overlay_start_0:
0x88: {  	s2 =	sld [smem:$0x3FD9]  }
0x89: {  	s3 =	sld [smem:$0x3FFE];
	_ =	sdelay $0x1  }
0x8a: {  	s1 =	srdreg.scid  }
0x8b: {  	s0 =	sand.u32 $0x1, s1  }
0x8c: {  	s17 =	sshll.u32 s0, $0xA;
	s2 =	sadd.s32 s3, s2  }
0x8d: {  	s2 =	sadd.s32 s2, s17  }
0x8e: {  	[smem:$0x3FC2] =	sst s2  }
0x8f: {  	_ = 	snop  }
0x90: {  	s2 =	sld [smem:$0x3FC9]  }
0x91: {  	s18 =	sld [smem:$0x3FD0];
	(tm) =	ssettm $0x1  }
0x92: {  	s4 =	sld [smem:$0x3FFB];
	_ =	sdelay $0x3  }
0x93: {  	_ =	strace s4  }
0x94: {  	s4 =	sld [smem:$0x3FFC];
	_ =	sdelay $0x3  }
0x95: {  	_ =	strace s4  }
0x96: {  	s4 =	sld [smem:$0x3FFD];
	_ =	sdelay $0x3  }
0x97: {  	_ =	strace s4  }
0x98: {  	_ =	strace $0x8FFFFFFF  }
0x99: {  	s19 =	sld [smem:$0x3FDB];
	_ =	sdelay $0x1  }
0x9a: {  	s5 =	simm.s32 $_scs_section_size  }
0x9b: {  	s6 =	simm.s32 $_size__tile_overlayer_lowered;
	s7 =	simm.s32 $_tile_overlayer_lowered  }
0x9c: {  	s22 =	simm.s32 $0x1BFF;
	s21 =	sshll.u32 s7, $0x1;
	s4 =	sadd.s32 s5, s19  }
0x9d: {  	s8 =	simm.s32 $0x0;
	s20 =	sshll.u32 s6, $0x1;
	s6 =	sadd.s32 s21, s4  }
0x9e: {  	[timem:s8], [sflag:s22] =	dma.local [hbm:s6], s20  }
0x9f: {  	_ =	swait.ge [sflag:s22], s20  }
0xa0: {  	s5 =	ssub.s32 $0x0, s20;
	[sflag:s22] =	ssyncset.done $0x0  }
0xa1: {  	[sflag:s22] =	ssyncadd.s32 s5;
	_ =	sdelay $0x1  }
0xa2: {  	s23 =	simm.s32 $0x1B8B  }
0xa3: {  	_ =	swait.ge [sflag:s23], $0x1  }
0xa4: {  	[sflag:s23] =	ssyncset.done $0x0  }
0xa5: {  	s25 =	simm.s32 $0x1B8E;
	s24 =	sld [smem:$0x3FFE];
	[sflag:s23] =	ssyncadd.s32 $0xFFFFFFFF  }
0xa6: {  	s26 =	simm.s32 $execute0_lowered;
	[smem:$0x3FD2] =	sst s25  }
0xa7: {  	s6 =	sshll.u32 s26, $0x1;
	_ =	strace $0x80000046;
	[dreg:$0x1] =	wrdreg $0xFFFFFFFF  }
0xa8: {  	s28 =	simm.s32 $_size_execute0_lowered;
	s4 =	sadd.s32 s4, s6;
	[dreg:$0x0] =	wrdreg $0x0  }
0xa9: {  	s6 =	sshll.u32 s28, $0x1;
	[dreg:$0x2] =	wrdreg s4  }
0xaa: {  	[dreg:$0x3] =	wrdreg s6  }
0xab: {  	[dreg:$0x4] =	wrdreg $0xC0  }
0xac: {  	_ =	task [dreg:s8], $0x5FFFF  }
0xad: {  	[dreg:$0x1] =	wrdreg $0xFFFFFFFF  }
0xae: {  	[dreg:$0x0] =	wrdreg $0x60  }
0xaf: {  	[dreg:$0x2] =	wrdreg s2  }
0xb0: {  	[dreg:$0x3] =	wrdreg s18  }
0xb1: {  	[dreg:$0x4] =	wrdreg s24  }
0xb2: {  	[dreg:$0x5] =	wrdreg $0x92200  }
0xb3: {  	[dreg:$0x6] =	wrdreg $0x1CE200  }
0xb4: {  	[dreg:$0x7] =	wrdreg $0x9  }
0xb5: {  	_ =	task.clear_ibuf [dreg:s8], $0x8FFFF;
	_ =	strace $0x90000046  }
0xb6: {  	s29 =	simm.s32 $0x9;
	_ =	strace $0x80000048  }
0xb7: {  	_ =	swait.ge [sflag:s29], $0x1  }
0xb8: {  	[sflag:s29] =	ssyncadd.s32 $0xFFFFFFFF  }
0xb9: {  	_ =	strace $0x90000048  }
0xba: {  	_ =	sfence  }
0xbb: {  	s30 =	sld [smem:$0x0];
	_ =	sdelay $0x2  }
0xbc: {  	s31 =	sshll.u32 s1, $0xD;
	s1 =	sshrl.u32 s1, $0x2  }
0xbd: {  	s3 =	sand.u32 $0x4000, s31;
	s1 =	sadd.s32 s1, s30  }
0xbe: {  	s0 =	sor.u32 s3, s0;
	s1 =	sshll.u32 s1, $0x11  }
0xbf: {  	s0 =	sor.u32 s1, s0  }
0xc0: {  	s0 =	sadd.s32 $0x8F2B, s0  }
0xc1: {  	[sflag:s0] =	ssyncadd.remote.s32 $0x1  }
0xc2: {  	_ =	sfence.sel $0xFFFF  }
0xc3: {  	[dreg:$0x0] =	wrdreg $0xFFFFFFFF;
	(pc) =	sbr.abs _section_cstart, $3  }
0xc4: {  	[dreg:$0x1] =	wrdreg $0xFFFFFFFF  }
0xc5: {  	_ =	task.clear_ibuf [dreg:s8], $0x2FFFF;
	_ =	strace $0x9FFFFFFF  }
0xc6: {  	(tm) =	ssettm $0x7FFFFFFF  }
0xc7: {  	_ =	shalt  }
tec
execute0_lowered:
.L_overlay_start_1:
0x0: {  	(tag) =	ssettag $0x1  }
0x1: {  	s1 =	rddreg [dreg:$0x0]  }
0x2: {  	s0 =	rddreg [dreg:$0x1];
	s13 =	stileid.u32  }
0x3: {  	s2 =	rddreg [dreg:$0x2];
	s7 =	smul.u32 $0x13C00, s13  }
0x4: {  	s4 =	srdreg.scid;
	s9 =	smul.u32 $0x2780, s13  }
0x5: {  	s3 =	rddreg [dreg:$0x3];
	s6 =	sand.u32 $0x1, s4;
	s12 =	smul.u32 $0x278, s13  }
0x6: {  	s5 =	simm.s32 $0x0;
	s4 =	rddreg [dreg:$0x4];
	s8 =	smul.u32 $0x13C000, s6  }
0x7: {  	[smem:$0x7FF] =	sst s5;
	s10 =	smul.u32 $0x27800, s6;
	s11 =	ssub.s32 $0x2, s6  }
0x8: {  	_ =	strace $0x80000047;
	s6 =	sshll.u32 s6, $0x4;
	s24 =	sshrl.u32 s11, $0x1  }
0x9: {  	s25 =	sor.u32 s13, s6;
	s26 =	sadd.s32 $0x40, s12;
	s6 =	sadd.s32 s7, s3  }
0xa: {  	s16 =	sadd.s32 $0x80, s12;
	s19 =	sadd.s32 $0xC0, s12;
	s23 =	sadd.s32 $0x140, s12  }
0xb: {  	s8 =	sadd.s32 s7, s8;
	s10 =	sadd.s32 s9, s10;
	s7 =	sadd.s32 s9, s4  }
0xc: {  	s14 =	sshll.u32 s26, $0x7;
	s15 =	sshll.u32 s26, $0x4;
	s17 =	sshll.u32 s16, $0x7  }
0xd: {  	s13 =	sshll.u32 s16, $0x4;
	s20 =	sshll.u32 s19, $0x7;
	s26 =	sadd.s32 $0x180, s12  }
0xe: {  	s8 =	sshrl.u32 s8, $0x3;
	s10 =	sshrl.u32 s10, $0x3;
	s9 =	sadd.s32 s14, s3  }
0xf: {  	s18 =	sadd.s32 s13, s4;
	s14 =	sadd.s32 $0x100, s12;
	s13 =	sadd.s32 s20, s3  }
0x10: {  	s8 =	sadd.s32 s8, s2;
	s2 =	sadd.s32 s10, s2;
	[dreg:$0x6] =	wrdreg s9  }
0x11: {  	s10 =	ssub.s32 s11, s24;
	s9 =	sadd.s32 s15, s4;
	[dreg:$0x9] =	wrdreg s18  }
0x12: {  	[dreg:$0xa] =	wrdreg s13;
	s21 =	sshll.u32 s14, $0x7;
	s22 =	sshll.u32 s14, $0x4  }
0x13: {  	s24 =	sshll.u32 s23, $0x7;
	s11 =	smul.u32 $0x2710, s25;
	s25 =	sshll.u32 s23, $0x4  }
0x14: {  	s14 =	sshll.u32 s26, $0x7;
	s13 =	sshll.u32 s26, $0x4;
	s15 =	sadd.s32 $0x1C0, s12  }
0x15: {  	[dreg:$0x7] =	wrdreg s9;
	s9 =	sadd.s32 s17, s3;
	s20 =	sadd.s32 s13, s4  }
0x16: {  	s16 =	sshll.u32 s15, $0x7;
	s17 =	sadd.s32 $0x200, s12;
	s28 =	sadd.s32 $0xB400, s8  }
0x17: {  	s29 =	sadd.s32 $0x1600, s2;
	s30 =	smax.u32 s10, $0x1;
	s2 =	simm.s32 $0x4E20  }
0x18: {  	s8 =	simm.s32 $0x8E20;
	s10 =	simm.s32 $0x40;
	s13 =	simm.s32 $0x4E10  }
0x19: {  	[dreg:$0x8] =	wrdreg s9;
	s9 =	sshll.u32 s19, $0x4;
	s11 =	sshrl.u32 s11, $0x3  }
0x1a: {  	s19 =	sadd.s32 $0x240, s12;
	s12 =	simm.s32 $0x10;
	s9 =	sadd.s32 s9, s4  }
0x1b: {  	s18 =	sadd.s32 s0, s11;
	s0 =	sshll.u32 s15, $0x4;
	s26 =	sshll.u32 s19, $0x7  }
0x1c: {  	s11 =	simm.s32 $0x4DD0;
	[dreg:$0xb] =	wrdreg s9;
	s9 =	sadd.s32 s21, s3  }
0x1d: {  	s21 =	sadd.s32 s16, s3;
	[dreg:$0xc] =	wrdreg s9;
	s9 =	sadd.s32 s22, s4  }
0x1e: {  	s31 =	sadd.s32 $0x9C40, s18;
	[dreg:$0xd] =	wrdreg s9;
	s9 =	sadd.s32 s24, s3  }
0x1f: {  	s22 =	sadd.s32 s0, s4;
	[dreg:$0xe] =	wrdreg s9;
	s9 =	sadd.s32 s25, s4  }
0x20: {  	s0 =	sshll.u32 s19, $0x4;
	s25 =	sshll.u32 s17, $0x7;
	[dreg:$0xf] =	wrdreg s9  }
0x21: {  	s9 =	sadd.s32 s14, s3;
	s23 =	sadd.s32 s25, s3;
	s25 =	sadd.s32 s26, s3  }
0x22: {  	s26 =	sadd.s32 s0, s4;
	[dreg:$0x10] =	wrdreg s9;
	s9 =	sshll.u32 s17, $0x4  }
0x23: {  	v0 =	vimm.f32 $0.0e+00;
	v1 =	vimm.f32 $1.000000000e+00;
	s0 =	simm.s32 $0x2;
	s24 =	sadd.s32 s9, s4;
	s9 =	simm.s32 $0x1  }
.LBB2_1:
0x24: {  	s14 =	simm.s32 $0x4E60  }
0x25: {  	[tilespmem:s14+$0xFFFFFFD0] =	vst v0  }
0x26: {  	[tilespmem:s14+$0xFFFFFFE0] =	vst v0  }
0x27: {  	[tilespmem:s14+$0xFFFFFFF0] =	vst v0  }
0x28: {  	[tilespmem:s14+$0x0] =	vst v0  }
0x29: {  	[tilespmem:s14+$0x10] =	vst v0  }
0x2a: {  	[tilespmem:s14+$0x20] =	vst v0  }
0x2b: {  	[tilespmem:s14+$0x30] =	vst v0  }
0x2c: {  	s16 =	simm.s32 $0x0;
	s15 =	simm.s32 $0x40;
	[tilespmem:s14+$0xFFFFFFC0] =	vst v0  }
.LBB2_2:
0x2d: {  	p0 =	sne.s32 s15, $0xFC0;
	[tilespmem:s16+$0x8E20] =	vst v0;
	s14 =	sadd.s32 $0x80, s14  }
0x2e: {  	[tilespmem:s14+$0xFFFFFFD0] =	vst v0  }
0x2f: {  	[tilespmem:s14+$0xFFFFFFE0] =	vst v0  }
0x30: {  	[tilespmem:s14+$0xFFFFFFF0] =	vst v0  }
.Ltmp0:
0x31: {  	[tilespmem:s14+$0x0] =	vst v0;
	(pc) =	sbr.rel @p0 .LBB2_2-.Ltmp0, $4  }
0x32: {  	[tilespmem:s14+$0x10] =	vst v0  }
0x33: {  	[tilespmem:s14+$0x20] =	vst v0  }
0x34: {  	[tilespmem:s14+$0x30] =	vst v0  }
0x35: {  	s16 =	sshra.s32 s15, $0x2;
	s15 =	sadd.s32 $0x40, s15;
	[tilespmem:s14+$0xFFFFFFC0] =	vst v0  }
0x36: {  	[tilespmem:s16+$0x8E20] =	vst v0  }
0x37: {  	[spmem:s6] =	stream.linear.scatter [tilespmem:s2], [sflag:$0x2], $0x2000, $0x38;
	[tilespmem:$0x1F5A0] =	vst v63  }
0x38: {  	_ =	swait.ge [sflag:s0], $0x2000  }
0x39: {  	[sflag:s0] =	ssyncset.done $0x0  }
0x3a: {  	[sflag:s0] =	ssyncadd.s32 $0xFFFFE000  }
0x3b: {  	[spmem:s7] =	stream.linear.scatter [tilespmem:s8], [sflag:$0x2], $0x400, $0x38;
	[tilespmem:$0x1F5A0] =	vst v63  }
0x3c: {  	_ =	swait.ge [sflag:s0], $0x400  }
0x3d: {  	[sflag:s0] =	ssyncset.done $0x0  }
0x3e: {  	s14 =	rddreg [dreg:$0x6];
	[sflag:s0] =	ssyncadd.s32 $0xFFFFFC00  }
0x3f: {  	[spmem:s14] =	stream.linear.scatter [tilespmem:s2], [sflag:$0x2], $0x2000, $0x38;
	[tilespmem:$0x1F5A0] =	vst v63  }
0x40: {  	_ =	swait.ge [sflag:s0], $0x2000  }
0x41: {  	[sflag:s0] =	ssyncset.done $0x0  }
0x42: {  	s17 =	rddreg [dreg:$0x7];
	[sflag:s0] =	ssyncadd.s32 $0xFFFFE000  }
0x43: {  	[spmem:s17] =	stream.linear.scatter [tilespmem:s8], [sflag:$0x2], $0x400, $0x38;
	[tilespmem:$0x1F5A0] =	vst v63  }
0x44: {  	_ =	swait.ge [sflag:s0], $0x400  }
0x45: {  	[sflag:s0] =	ssyncset.done $0x0  }
0x46: {  	s19 =	rddreg [dreg:$0x8];
	[sflag:s0] =	ssyncadd.s32 $0xFFFFFC00  }
0x47: {  	[spmem:s19] =	stream.linear.scatter [tilespmem:s2], [sflag:$0x2], $0x2000, $0x38;
	[tilespmem:$0x1F5A0] =	vst v63  }
0x48: {  	_ =	swait.ge [sflag:s0], $0x2000  }
0x49: {  	[sflag:s0] =	ssyncset.done $0x0  }
0x4a: {  	s15 =	rddreg [dreg:$0x9];
	[sflag:s0] =	ssyncadd.s32 $0xFFFFE000  }
0x4b: {  	[spmem:s15] =	stream.linear.scatter [tilespmem:s8], [sflag:$0x2], $0x400, $0x38;
	[tilespmem:$0x1F5A0] =	vst v63  }
0x4c: {  	_ =	swait.ge [sflag:s0], $0x400  }
0x4d: {  	[sflag:s0] =	ssyncset.done $0x0  }
0x4e: {  	s16 =	rddreg [dreg:$0xa];
	[sflag:s0] =	ssyncadd.s32 $0xFFFFFC00  }
0x4f: {  	[spmem:s16] =	stream.linear.scatter [tilespmem:s2], [sflag:$0x2], $0x2000, $0x38;
	[tilespmem:$0x1F5A0] =	vst v63  }
0x50: {  	_ =	swait.ge [sflag:s0], $0x2000  }
0x51: {  	[sflag:s0] =	ssyncset.done $0x0  }
0x52: {  	s17 =	rddreg [dreg:$0xb];
	[sflag:s0] =	ssyncadd.s32 $0xFFFFE000  }
0x53: {  	[spmem:s17] =	stream.linear.scatter [tilespmem:s8], [sflag:$0x2], $0x400, $0x38;
	[tilespmem:$0x1F5A0] =	vst v63  }
0x54: {  	_ =	swait.ge [sflag:s0], $0x400  }
0x55: {  	[sflag:s0] =	ssyncset.done $0x0  }
0x56: {  	s19 =	rddreg [dreg:$0xc];
	[sflag:s0] =	ssyncadd.s32 $0xFFFFFC00  }
0x57: {  	[spmem:s19] =	stream.linear.scatter [tilespmem:s2], [sflag:$0x2], $0x2000, $0x38;
	[tilespmem:$0x1F5A0] =	vst v63  }
0x58: {  	_ =	swait.ge [sflag:s0], $0x2000  }
0x59: {  	[sflag:s0] =	ssyncset.done $0x0  }
0x5a: {  	s15 =	rddreg [dreg:$0xd];
	[sflag:s0] =	ssyncadd.s32 $0xFFFFE000  }
0x5b: {  	[spmem:s15] =	stream.linear.scatter [tilespmem:s8], [sflag:$0x2], $0x400, $0x38;
	[tilespmem:$0x1F5A0] =	vst v63  }
0x5c: {  	_ =	swait.ge [sflag:s0], $0x400  }
0x5d: {  	[sflag:s0] =	ssyncset.done $0x0  }
0x5e: {  	s16 =	rddreg [dreg:$0xe];
	[sflag:s0] =	ssyncadd.s32 $0xFFFFFC00  }
0x5f: {  	[spmem:s16] =	stream.linear.scatter [tilespmem:s2], [sflag:$0x2], $0x2000, $0x38;
	[tilespmem:$0x1F5A0] =	vst v63  }
0x60: {  	_ =	swait.ge [sflag:s0], $0x2000  }
0x61: {  	[sflag:s0] =	ssyncset.done $0x0  }
0x62: {  	s17 =	rddreg [dreg:$0xf];
	[sflag:s0] =	ssyncadd.s32 $0xFFFFE000  }
0x63: {  	[spmem:s17] =	stream.linear.scatter [tilespmem:s8], [sflag:$0x2], $0x400, $0x38;
	[tilespmem:$0x1F5A0] =	vst v63  }
0x64: {  	_ =	swait.ge [sflag:s0], $0x400  }
0x65: {  	[sflag:s0] =	ssyncset.done $0x0  }
0x66: {  	s19 =	rddreg [dreg:$0x10];
	[sflag:s0] =	ssyncadd.s32 $0xFFFFFC00  }
0x67: {  	[spmem:s19] =	stream.linear.scatter [tilespmem:s2], [sflag:$0x2], $0x2000, $0x38;
	[tilespmem:$0x1F5A0] =	vst v63  }
0x68: {  	_ =	swait.ge [sflag:s0], $0x2000  }
0x69: {  	[sflag:s0] =	ssyncset.done $0x0  }
0x6a: {  	[sflag:s0] =	ssyncadd.s32 $0xFFFFE000  }
0x6b: {  	[spmem:s20] =	stream.linear.scatter [tilespmem:s8], [sflag:$0x2], $0x400, $0x38;
	[tilespmem:$0x1F5A0] =	vst v63  }
0x6c: {  	_ =	swait.ge [sflag:s0], $0x400  }
0x6d: {  	[sflag:s0] =	ssyncset.done $0x0  }
0x6e: {  	[sflag:s0] =	ssyncadd.s32 $0xFFFFFC00  }
0x6f: {  	[spmem:s21] =	stream.linear.scatter [tilespmem:s2], [sflag:$0x2], $0x2000, $0x38;
	[tilespmem:$0x1F5A0] =	vst v63  }
0x70: {  	_ =	swait.ge [sflag:s0], $0x2000  }
0x71: {  	[sflag:s0] =	ssyncset.done $0x0  }
0x72: {  	[sflag:s0] =	ssyncadd.s32 $0xFFFFE000  }
0x73: {  	[spmem:s22] =	stream.linear.scatter [tilespmem:s8], [sflag:$0x2], $0x400, $0x38;
	[tilespmem:$0x1F5A0] =	vst v63  }
0x74: {  	_ =	swait.ge [sflag:s0], $0x400  }
0x75: {  	[sflag:s0] =	ssyncset.done $0x0  }
0x76: {  	[sflag:s0] =	ssyncadd.s32 $0xFFFFFC00  }
0x77: {  	[spmem:s23] =	stream.linear.scatter [tilespmem:s2], [sflag:$0x2], $0x2000, $0x38;
	[tilespmem:$0x1F5A0] =	vst v63  }
0x78: {  	_ =	swait.ge [sflag:s0], $0x2000  }
0x79: {  	[sflag:s0] =	ssyncset.done $0x0  }
0x7a: {  	[sflag:s0] =	ssyncadd.s32 $0xFFFFE000  }
0x7b: {  	[spmem:s24] =	stream.linear.scatter [tilespmem:s8], [sflag:$0x2], $0x400, $0x38;
	[tilespmem:$0x1F5A0] =	vst v63  }
0x7c: {  	_ =	swait.ge [sflag:s0], $0x400  }
0x7d: {  	[sflag:s0] =	ssyncset.done $0x0  }
0x7e: {  	[sflag:s0] =	ssyncadd.s32 $0xFFFFFC00  }
0x7f: {  	[spmem:s25] =	stream.linear.scatter [tilespmem:s2], [sflag:$0x2], $0x1C00, $0x38;
	[tilespmem:$0x1F5A0] =	vst v63  }
0x80: {  	_ =	swait.ge [sflag:s0], $0x1C00  }
0x81: {  	[sflag:s0] =	ssyncset.done $0x0  }
0x82: {  	[sflag:s0] =	ssyncadd.s32 $0xFFFFE400  }
0x83: {  	[spmem:s26] =	stream.linear.scatter [tilespmem:s8], [sflag:$0x2], $0x380, $0x38;
	[tilespmem:$0x1F5A0] =	vst v63  }
0x84: {  	_ =	swait.ge [sflag:s0], $0x380  }
0x85: {  	[sflag:s0] =	ssyncset.done $0x0  }
0x86: {  	s14 =	simm.s32 $0x40;
	s15 =	simm.s32 $0x0;
	[sflag:s0] =	ssyncadd.s32 $0xFFFFFC80  }
.LBB2_4:
0x87: {  	p0 =	sne.s32 s14, $0xFC0;
	[tilespmem:s15+$0x8E20] =	vst v1;
	s15 =	smov.u32 s14;
	s14 =	sadd.s32 $0x40, s14  }
.Ltmp1:
0x88: {  	(pc) =	sbr.rel @p0 .LBB2_4-.Ltmp1, $2  }
0x89: {  	_ =	sdelay $0x2  }
0x8a: {  	s15 =	sshra.s32 s15, $0x2  }
0x8b: {  	[tilespmem:s15+$0x8E20] =	vst v1;
	s16 =	simm.s32 $0x0  }
0x8c: {  	[tilespmem:s16], [sflag:$0x2] =	stream.linear.gather [hbm4b:s18+s16], $0x2710, $0x38;
	[tilespmem:$0x1F5A0] =	vst v63  }
0x8d: {  	_ =	swait.ge [sflag:s0], $0x2710  }
0x8e: {  	[sflag:s0] =	ssyncset.done $0x0  }
0x8f: {  	s14 =	simm.s32 $0x2710;
	[sflag:s0] =	ssyncadd.s32 $0xFFFFD8F0  }
0x90: {  	[tilespmem:s14], [sflag:$0x2] =	stream.linear.gather [hbm4b:s31+s16], $0x2710, $0x38;
	[tilespmem:$0x1F5A0] =	vst v63  }
0x91: {  	_ =	swait.ge [sflag:s0], $0x2710  }
0x92: {  	[sflag:s0] =	ssyncset.done $0x0  }
0x93: {  	[sflag:s0] =	ssyncadd.s32 $0xFFFFD8F0  }
0x94: {  	s15 =	simm.s32 $0x40;
	[bflag:$0x0] =	sbarrier.arrive $0xFFFF  }
0x95: {  	[tilespmem:s2], [sflag:$0x1] =	stream.indirect.gather [hbm4b:s1+s15], $0x80, s16, s15, $0xb8;
	[tilespmem:$0x1F5A0] =	vst v63  }
0x96: {  	s19 =	simm.s32 $0x0;
	_ =	swait.ge [sflag:s9], $0x2000  }
0x97: {  	s16 =	sand.u32 $0x2000, s19;
	[sflag:s9] =	ssyncset.done $0x0  }
0x98: {  	s17 =	sxor.u32 $0x6E20, s16;
	[sflag:s9] =	ssyncadd.s32 $0xFFFFE000  }
0x99: {  	[tilespmem:s17], [sflag:$0x1] =	stream.indirect.gather [hbm4b:s1+s10], $0x80, s15, s10, $0xb8;
	[tilespmem:$0x1F5A0] =	vst v63  }
0x9a: {  	s16 =	sor.u32 $0x4E20, s16  }
0x9b: {  	[spmem:s3] =	stream.indirect.scatter.add.f32 [tilespmem:s16], [sflag:$0x2], $0x80, s14, s10, $0xb8;
	[tilespmem:$0x1F5A0] =	vst v63  }
0x9c: {  	_ =	swait.ge [sflag:s0], $0x2000  }
0x9d: {  	[sflag:s0] =	ssyncset.done $0x0  }
0x9e: {  	[sflag:s0] =	ssyncadd.s32 $0xFFFFE000  }
0x9f: {  	[spmem:s4] =	stream.indirect.scatter.add.f32 [tilespmem:s8], [sflag:$0x2], $0x10, s14, s10, $0xb8;
	[tilespmem:$0x1F5A0] =	vst v63  }
0xa0: {  	_ =	swait.ge [sflag:s0], $0x400  }
0xa1: {  	s16 =	simm.s32 $0x1;
	[sflag:s0] =	ssyncset.done $0x0  }
.LBB2_6:
0xa2: {  	[sflag:s0] =	ssyncadd.s32 $0xFFFFFC00;
	s14 =	sadd.s32 $0x40, s14;
	s15 =	sadd.s32 $0x40, s15  }
0xa3: {  	s17 =	sshll.u32 s16, $0xD;
	p0 =	sne.s32 s16, $0x9A;
	_ =	swait.ge [sflag:s9], $0x2000  }
0xa4: {  	s16 =	sadd.s32 $0x1, s16;
	s17 =	sand.u32 $0x2000, s17;
	[sflag:s9] =	ssyncset.done $0x0  }
0xa5: {  	s19 =	sxor.u32 $0x6E20, s17;
	[sflag:s9] =	ssyncadd.s32 $0xFFFFE000  }
0xa6: {  	[tilespmem:s19], [sflag:$0x1] =	stream.indirect.gather [hbm4b:s1+s10], $0x80, s15, s10, $0xb8;
	[tilespmem:$0x1F5A0] =	vst v63  }
0xa7: {  	s17 =	sor.u32 $0x4E20, s17  }
0xa8: {  	[spmem:s3] =	stream.indirect.scatter.add.f32 [tilespmem:s17], [sflag:$0x2], $0x80, s14, s10, $0xb8;
	[tilespmem:$0x1F5A0] =	vst v63  }
0xa9: {  	_ =	swait.ge [sflag:s0], $0x2000  }
.Ltmp2:
0xaa: {  	[sflag:s0] =	ssyncset.done $0x0;
	(pc) =	sbr.rel @p0 .LBB2_6-.Ltmp2, $4  }
0xab: {  	[sflag:s0] =	ssyncadd.s32 $0xFFFFE000  }
0xac: {  	[spmem:s4] =	stream.indirect.scatter.add.f32 [tilespmem:s8], [sflag:$0x2], $0x10, s14, s10, $0xb8;
	[tilespmem:$0x1F5A0] =	vst v63  }
0xad: {  	_ =	swait.ge [sflag:s0], $0x400  }
0xae: {  	[sflag:s0] =	ssyncset.done $0x0  }
0xaf: {  	[sflag:s0] =	ssyncadd.s32 $0xFFFFFC00  }
0xb0: {  	_ =	swait.ge [sflag:s9], $0x2000  }
0xb1: {  	[sflag:s9] =	ssyncset.done $0x0  }
0xb2: {  	s14 =	simm.s32 $0x6E20;
	[sflag:s9] =	ssyncadd.s32 $0xFFFFE000  }
0xb3: {  	[spmem:s3] =	stream.indirect.scatter.add.f32 [tilespmem:s14], [sflag:$0x2], $0x80, s11, s10, $0xb8;
	[tilespmem:$0x1F5A0] =	vst v63  }
0xb4: {  	_ =	swait.ge [sflag:s0], $0x2000  }
0xb5: {  	[sflag:s0] =	ssyncset.done $0x0  }
0xb6: {  	[sflag:s0] =	ssyncadd.s32 $0xFFFFE000  }
0xb7: {  	[spmem:s4] =	stream.indirect.scatter.add.f32 [tilespmem:s8], [sflag:$0x2], $0x10, s11, s10, $0xb8;
	[tilespmem:$0x1F5A0] =	vst v63  }
0xb8: {  	_ =	swait.ge [sflag:s0], $0x400  }
0xb9: {  	[sflag:s0] =	ssyncset.done $0x0  }
0xba: {  	s16 =	simm.s32 $0x2700;
	[sflag:s0] =	ssyncadd.s32 $0xFFFFFC00  }
0xbb: {  	[tilespmem:s2], [sflag:$0x1] =	stream.indirect.gather [hbm4b:s1+s12], $0x80, s16, s12, $0xb8;
	[tilespmem:$0x1F5A0] =	vst v63  }
0xbc: {  	_ =	swait.ge [sflag:s9], $0x800  }
0xbd: {  	[sflag:s9] =	ssyncset.done $0x0  }
0xbe: {  	[sflag:s9] =	ssyncadd.s32 $0xFFFFF800  }
0xbf: {  	[spmem:s3] =	stream.indirect.scatter.add.f32 [tilespmem:s2], [sflag:$0x2], $0x80, s13, s12, $0xb8;
	[tilespmem:$0x1F5A0] =	vst v63  }
0xc0: {  	_ =	swait.ge [sflag:s0], $0x800  }
0xc1: {  	[sflag:s0] =	ssyncset.done $0x0  }
0xc2: {  	[sflag:s0] =	ssyncadd.s32 $0xFFFFF800  }
0xc3: {  	[spmem:s4] =	stream.indirect.scatter.add.f32 [tilespmem:s8], [sflag:$0x2], $0x10, s13, s12, $0xb8;
	[tilespmem:$0x1F5A0] =	vst v63  }
0xc4: {  	_ =	swait.ge [sflag:s0], $0x100  }
0xc5: {  	s17 =	stileid.u32;
	[sflag:s0] =	ssyncset.done $0x0  }
0xc6: {  	s14 =	sshll.u32 s17, $0x6;
	[sflag:s0] =	ssyncadd.s32 $0xFFFFFF00  }
0xc7: {  	s15 =	sshrl.u32 s6, $0x3;
	s14 =	sor.u32 $0x1C02, s14;
	[bflag:$0x0] =	sbarrier.arrive $0xFFFF  }
0xc8: {  	[hbm:s28], [sflag:s14] =	dma.local [spmem:s15], $0x2780  }
0xc9: {  	s5 =	sadd.s32 $0x1, s5;
	_ =	swait.ge [sflag:s0], $0x2780  }
0xca: {  	p0 =	sne.s32 s5, s30;
	[sflag:s0] =	ssyncset.done $0x0  }
.Ltmp3:
0xcb: {  	s19 =	sshrl.u32 s7, $0x3;
	[sflag:s0] =	ssyncadd.s32 $0xFFFFD880;
	(pc) =	sbr.rel @p0 .LBB2_1-.Ltmp3, $4  }
0xcc: {  	[hbm:s29], [sflag:s14] =	dma.local [spmem:s19], $0x4F0  }
0xcd: {  	_ =	swait.ge [sflag:s0], $0x4F0  }
0xce: {  	[sflag:s0] =	ssyncset.done $0x0  }
0xcf: {  	[sflag:s0] =	ssyncadd.s32 $0xFFFFFB10  }
0xd0: {  	_ =	sfence.sel $0x180000  }
0xd1: {  	[bflag:$0x0] =	sbarrier.arrive $0xFFFF  }
0xd2: {  	_ =	strace $0x90000047  }
0xd3: {  	s0 =	stileid.u32;
	[bflag:$0x2] =	sbarrier.arrive $0xFFFF  }
0xd4: {  	p0 =	sne.s32 s0, $0x0;
	s0 =	rddreg [dreg:$0x5]  }
0xd5: {  	s0 =	sadd.s32 @!p0 $0x100000, s0  }
0xd6: {  	[sflag:s0] =	ssyncadd.tile.s32 @!p0 $0x1;
	_ =	shalt  }
.Lfunc_end2:
_tile_overlayer_lowered:
.L_overlay_start_2:
0xd7: {  	(tag) =	ssettag $0x2  }
0xd8: {  	s0 =	rddreg [dreg:$0x0];
	s2 =	stileid.u32  }
0xd9: {  	s1 =	rddreg [dreg:$0x1];
	p0 =	sne.s32 s2, $0x0  }
0xda: {  	s3 =	rddreg [dreg:$0x2];
	[bflag:$0x3] =	sbarrier.arrive $0xFFFF;
	s2 =	simm.s32 @!p0 $0x1C02  }
0xdb: {  	[timem:s3], [sflag:s2] =	dma.local @!p0 [hbm:s0], s1  }
0xdc: {  	s0 =	simm.s32 @!p0 $0x2  }
0xdd: {  	_ =	swait.ge @!p0 [sflag:s0], s1  }
0xde: {  	s1 =	ssub.s32 @!p0 $0x0, s1;
	[sflag:s0] =	ssyncset.done @!p0 $0x0  }
0xdf: {  	[sflag:s0] =	ssyncadd.s32 @!p0 s1  }
0xe0: {  	[bflag:$0x3] =	sbarrier.arrive $0xFFFF  }
0xe1: {  	_ =	shalt  }

</sc_bundles>
